<compile_context>
chip_gen: v7x
topology: tpu7x:2x2x1
jax: 0.10.2.dev20260603
libtpu: 0.0.44.dev20260713+nightly
codegen_flags: <defaults>
</compile_context>

<pallas_src>
import functools

import jax
import jax.numpy as jnp
from jax import lax
from jax.experimental import pallas as pl
from jax.experimental.pallas import tpu as pltpu
from jax.experimental.pallas import tpu_sc as plsc

N = 10000
E = 160000
D = 256
H = 256
EMB = 128
G = 64

BN = 1000
NB = N // BN
HALF = 128

NC = 2
NS = 16
EC = 128
EPT = 10240
CH = EPT // EC
E_PAD = NS * EPT
RPT = 624
REM = N - NS * RPT



def _msg_body(h_ref, wm_ref, bm_ref, wua_ref, bu_ref, m_ref, u_ref):
    h = h_ref[...]
    m = jnp.dot(h, wm_ref[...], preferred_element_type=jnp.float32) + bm_ref[0]
    m_ref[0] = m[:, :HALF]
    m_ref[1] = m[:, HALF:]
    u_ref[...] = jnp.dot(h, wua_ref[...], preferred_element_type=jnp.float32) + bu_ref[0]


_msg_call = pl.pallas_call(
    _msg_body,
    grid=(NB,),
    in_specs=[
        pl.BlockSpec((BN, H), lambda i: (i, 0)),
        pl.BlockSpec((H, H), lambda i: (0, 0)),
        pl.BlockSpec((1, H), lambda i: (0, 0)),
        pl.BlockSpec((H, H), lambda i: (0, 0)),
        pl.BlockSpec((1, H), lambda i: (0, 0)),
    ],
    out_specs=[
        pl.BlockSpec((2, BN, HALF), lambda i: (0, i, 0)),
        pl.BlockSpec((BN, H), lambda i: (i, 0)),
    ],
    out_shape=[
        jax.ShapeDtypeStruct((2, N, HALF), jnp.float32),
        jax.ShapeDtypeStruct((N, H), jnp.float32),
    ],
)


def _upd_body(u_ref, s_ref, wub_ref, o_ref):
    acc = u_ref[...]
    acc += jnp.dot(s_ref[0], wub_ref[0], preferred_element_type=jnp.float32)
    acc += jnp.dot(s_ref[1], wub_ref[1], preferred_element_type=jnp.float32)
    o_ref[...] = jnp.maximum(acc, 0.0)


_upd_call = pl.pallas_call(
    _upd_body,
    grid=(NB,),
    in_specs=[
        pl.BlockSpec((BN, H), lambda i: (i, 0)),
        pl.BlockSpec((2, BN, HALF), lambda i: (0, i, 0)),
        pl.BlockSpec((2, HALF, H), lambda i: (0, 0, 0)),
    ],
    out_specs=pl.BlockSpec((BN, H), lambda i: (i, 0)),
    out_shape=jax.ShapeDtypeStruct((N, H), jnp.float32),
)


def _pool_body(h_ref, wp_ref, bp_ref, b_ref, o_ref, sums, cnts):
    i = pl.program_id(0)

    @pl.when(i == 0)
    def _():
        sums[...] = jnp.zeros_like(sums)
        cnts[...] = jnp.zeros_like(cnts)

    z = jnp.tanh(
        jnp.dot(h_ref[...], wp_ref[...], preferred_element_type=jnp.float32)
        + bp_ref[0]
    )
    gids = lax.broadcasted_iota(jnp.int32, (BN, G), 1)
    onehot = jnp.where(b_ref[...] == gids, 1.0, 0.0)
    dnums = (((0,), (0,)), ((), ()))
    sums[...] += lax.dot_general(onehot, z, dnums, preferred_element_type=jnp.float32)
    cnts[...] += lax.dot_general(
        onehot, jnp.ones((BN, EMB), jnp.float32), dnums,
        preferred_element_type=jnp.float32)

    @pl.when(i == NB - 1)
    def _():
        o_ref[...] = sums[...] / jnp.maximum(cnts[...], 1.0)


_pool_call = pl.pallas_call(
    _pool_body,
    grid=(NB,),
    in_specs=[
        pl.BlockSpec((BN, H), lambda i: (i, 0)),
        pl.BlockSpec((H, EMB), lambda i: (0, 0)),
        pl.BlockSpec((1, EMB), lambda i: (0, 0)),
        pl.BlockSpec((BN, 1), lambda i: (i, 0)),
    ],
    out_specs=pl.BlockSpec((G, EMB), lambda i: (0, 0)),
    out_shape=jax.ShapeDtypeStruct((G, EMB), jnp.float32),
    scratch_shapes=[
        pltpu.VMEM((G, EMB), jnp.float32),
        pltpu.VMEM((G, EMB), jnp.float32),
    ],
)



def _segsum_body(m_hbm, src2_hbm, dst_hbm, out_hbm, sidx, didx, rows, acc, sem):
    c = lax.axis_index("c")
    s = lax.axis_index("s")

    def _zrow(r, carry):
        for k in range(8):
            rows[r, pl.ds(k * 16, 16)] = jnp.zeros((16,), jnp.float32)
        return carry

    lax.fori_loop(0, EC, _zrow, 0)
    base_row = s * RPT
    for t in range(RPT // EC):
        pltpu.sync_copy(rows, acc.at[pl.ds(base_row + t * EC, EC)])
    rem = RPT % EC
    pltpu.sync_copy(rows.at[pl.ds(0, rem)],
                    acc.at[pl.ds(base_row + (RPT // EC) * EC, rem)])

    @pl.when(s == NS - 1)
    def _():
        pltpu.sync_copy(rows.at[pl.ds(0, REM)],
                        acc.at[pl.ds(NS * RPT, REM)])

    plsc.subcore_barrier()

    ebase = s * EPT
    gbase = c * E_PAD + ebase

    def _chunk(j, carry):
        off = j * EC
        pltpu.sync_copy(src2_hbm.at[pl.ds(gbase + off, EC)], sidx)
        pltpu.sync_copy(dst_hbm.at[pl.ds(ebase + off, EC)], didx)
        pltpu.async_copy(m_hbm.at[sidx], rows, sem).wait()
        pltpu.sync_copy(rows, acc.at[didx], add=True)
        return carry

    lax.fori_loop(0, CH, _chunk, 0)
    plsc.subcore_barrier()

    pltpu.sync_copy(acc.at[pl.ds(base_row, RPT)],
                    out_hbm.at[pl.ds(c * N + base_row, RPT)])

    @pl.when(s == NS - 1)
    def _():
        pltpu.sync_copy(acc.at[pl.ds(NS * RPT, REM)],
                        out_hbm.at[pl.ds(c * N + NS * RPT, REM)])


@functools.lru_cache(maxsize=None)
def _segsum_call():
    return functools.partial(
        pl.kernel,
        out_type=jax.ShapeDtypeStruct((2 * N, HALF), jnp.float32),
        mesh=plsc.VectorSubcoreMesh(
            core_axis_name="c", subcore_axis_name="s", num_cores=NC,
            num_subcores=NS),
        scratch_types=[
            pltpu.VMEM((EC,), jnp.int32),
            pltpu.VMEM((EC,), jnp.int32),
            pltpu.VMEM((EC, HALF), jnp.float32),
            pltpu.VMEM_SHARED((N + 8, HALF), jnp.float32),
            pltpu.SemaphoreType.DMA,
        ],
    )(_segsum_body)



def kernel(x, edge_index, batch,
           Wm0, bm0, Wu0, bu0,
           Wm1, bm1, Wu1, bu1,
           Wm2, bm2, Wu2, bu2,
           Wp, bp):
    src = edge_index[0]
    dst = edge_index[1]
    pad = E_PAD - E
    src_p = jnp.concatenate([src, jnp.zeros((pad,), jnp.int32)])
    dst_p = jnp.concatenate([dst, jnp.full((pad,), N, jnp.int32)])
    src2 = jnp.concatenate([src_p, src_p + N])

    h = x
    for Wm, bm, Wu, bu in ((Wm0, bm0, Wu0, bu0),
                           (Wm1, bm1, Wu1, bu1),
                           (Wm2, bm2, Wu2, bu2)):
        m2, u = _msg_call(h, Wm, bm.reshape(1, H),
                          Wu[:H], bu.reshape(1, H))
        s = _segsum_call()(m2.reshape(2 * N, HALF), src2, dst_p)
        h = _upd_call(u, s.reshape(2, N, HALF),
                      Wu[H:].reshape(2, HALF, H))

    return _pool_call(h, Wp, bp.reshape(1, EMB), batch.reshape(N, 1))

# --- scband reference (transcript-rebuilt; emitter-appended) ---
"""Pipeline reference for scband-structure2-vec-network-60464549593302 (READ-ONLY COPY).

The authoritative reference and input builder live on the scoring server;
editing this copy changes nothing except your own understanding.
"""

import jax, jax.numpy as jnp
import numpy as np

N = 10000
E = 160000
D = 256
H = 256
EMB = 128
G = 64
DEPTH = 3


def setup_inputs(seed: int = 0) -> dict:
    key = jax.random.key(seed)
    ks = jax.random.split(key, 4 + 4 * DEPTH + 2)
    inp = {}
    inp["x"] = jax.random.normal(ks[0], (N, D), dtype=jnp.float32)
    inp["edge_index"] = jax.random.randint(ks[1], (2, E), 0, N, dtype=jnp.int32)
    inp["batch"] = jnp.sort(jax.random.randint(ks[2], (N,), 0, G, dtype=jnp.int32))
    # layer params: layer 0 in=D, out=H; layers 1..DEPTH-1 in=H, out=H
    kidx = 3
    for l in range(DEPTH):
        cin = D if l == 0 else H
        sm = 1.0 / np.sqrt(cin)
        su = 1.0 / np.sqrt(cin + H)
        inp[f"Wm{l}"] = jax.random.uniform(ks[kidx], (cin, H), jnp.float32, -sm, sm); kidx += 1
        inp[f"bm{l}"] = jax.random.uniform(ks[kidx], (H,), jnp.float32, -sm, sm); kidx += 1
        inp[f"Wu{l}"] = jax.random.uniform(ks[kidx], (cin + H, H), jnp.float32, -su, su); kidx += 1
        inp[f"bu{l}"] = jax.random.uniform(ks[kidx], (H,), jnp.float32, -su, su); kidx += 1
    sp = 1.0 / np.sqrt(H)
    inp["Wp"] = jax.random.uniform(ks[kidx], (H, EMB), jnp.float32, -sp, sp); kidx += 1
    inp["bp"] = jax.random.uniform(ks[kidx], (EMB,), jnp.float32, -sp, sp)
    return inp


def _s2v_layer(x, edge_index, Wm, bm, Wu, bu):
    src = edge_index[0]
    dst = edge_index[1]
    # message: lin(x_j) on source node features
    msg = x[src] @ Wm + bm
    # aggr='add': scatter-add into destination nodes
    aggr = jax.ops.segment_sum(msg, dst, num_segments=x.shape[0])
    # update: relu(lin_update(cat([x, aggr])))
    new = jnp.concatenate([x, aggr], axis=1) @ Wu + bu
    return jax.nn.relu(new)


def reference(x, edge_index, batch,
              Wm0, bm0, Wu0, bu0,
              Wm1, bm1, Wu1, bu1,
              Wm2, bm2, Wu2, bu2,
              Wp, bp):
    h = x
    h = _s2v_layer(h, edge_index, Wm0, bm0, Wu0, bu0)
    h = _s2v_layer(h, edge_index, Wm1, bm1, Wu1, bu1)
    h = _s2v_layer(h, edge_index, Wm2, bm2, Wu2, bu2)
    h = jnp.tanh(h @ Wp + bp)
    # global_mean_pool over graph ids in `batch`
    sums = jax.ops.segment_sum(h, batch, num_segments=G)
    counts = jax.ops.segment_sum(jnp.ones((h.shape[0],), jnp.float32), batch, num_segments=G)
    pooled = sums / jnp.clip(counts, 1.0)[:, None]
    return pooled

if __name__ == "__main__":
    import jax
    _d = setup_inputs()
    print(jax.jit(kernel)(*tuple(_d.values())))

</pallas_src>

<mosaic_0001>
#map = affine_map<(d0, d1) -> (0, 0)>
#map1 = affine_map<(d0, d1) -> (0)>
module attributes {stable_mosaic.version = 14 : i64} {
  func.func @_segsum_body(%arg0: i32, %arg1: i32, %arg2: memref<20000x128xf32, #tpu.memory_space<hbm>>, %arg3: memref<327680xi32, #tpu.memory_space<hbm>>, %arg4: memref<163840xi32, #tpu.memory_space<hbm>>, %arg5: memref<20000x128xf32, #tpu.memory_space<hbm>>, %arg6: memref<128xi32, #tpu.memory_space<vmem>>, %arg7: memref<128xi32, #tpu.memory_space<vmem>>, %arg8: memref<128x128xf32, #tpu.memory_space<vmem>>, %arg9: memref<10008x128xf32, #tpu.memory_space<vmem_shared>>, %arg10: memref<!tpu.dma_semaphore, #tpu.memory_space<semaphore_mem>>) attributes {dimension_semantics = [#tpu.dimension_semantics<core_parallel>, #tpu.dimension_semantics<subcore_parallel>], iteration_bounds = array<i64: 2, 16>, scalar_prefetch = 0 : i64, scratch_operands = 5 : i64, tpu.core_type = #tpu.core_type<sc_vector_subcore>, window_params = [{transform_indices = #map}, {transform_indices = #map1}, {transform_indices = #map1}, {transform_indices = #map}]} {
    %scan3A = arith.constant 0 : i32
    %scan3A_0 = arith.constant 0 : i32
    %scan3A_1 = arith.constant 128 : i32
    %scan3A_2 = arith.addi %scan3A_0, %scan3A_1 : i32
    %scan3A_3 = arith.constant 1 : i32
    scf.for %scan3A_37 = %scan3A_0 to %scan3A_2 step %scan3A_3  : i32 {
      %broadcast_in_dim3A = arith.constant 0.000000e+00 : f32
      %broadcast_in_dim3A_38 = vector.broadcast %broadcast_in_dim3A : f32 to vector<16xf32>
      %swap3A = arith.index_cast %scan3A_37 : i32 to index
      %swap3A_39 = arith.constant 0 : index
      %swap3A_40 = tpu.vector_load %arg8[%swap3A, %swap3A_39] {strides = array<i32>} : memref<128x128xf32, #tpu.memory_space<vmem>>, vector<1x16xf32>,
      %swap3A_41 = vector.shape_cast %swap3A_40 : vector<1x16xf32> to vector<16xf32>
      %swap3A_42 = vector.shape_cast %broadcast_in_dim3A_38 : vector<16xf32> to vector<1x16xf32>
      tpu.vector_store %arg8[%swap3A, %swap3A_39], %swap3A_42 {strides = array<i32>} : memref<128x128xf32, #tpu.memory_space<vmem>>, vector<1x16xf32>,
      %broadcast_in_dim3A_43 = arith.constant 0.000000e+00 : f32
      %broadcast_in_dim3A_44 = vector.broadcast %broadcast_in_dim3A_43 : f32 to vector<16xf32>
      %swap3A_45 = arith.index_cast %scan3A_37 : i32 to index
      %swap3A_46 = arith.constant 16 : index
      %swap3A_47 = tpu.vector_load %arg8[%swap3A_45, %swap3A_46] {strides = array<i32>} : memref<128x128xf32, #tpu.memory_space<vmem>>, vector<1x16xf32>,
      %swap3A_48 = vector.shape_cast %swap3A_47 : vector<1x16xf32> to vector<16xf32>
      %swap3A_49 = vector.shape_cast %broadcast_in_dim3A_44 : vector<16xf32> to vector<1x16xf32>
      tpu.vector_store %arg8[%swap3A_45, %swap3A_46], %swap3A_49 {strides = array<i32>} : memref<128x128xf32, #tpu.memory_space<vmem>>, vector<1x16xf32>,
      %broadcast_in_dim3A_50 = arith.constant 0.000000e+00 : f32
      %broadcast_in_dim3A_51 = vector.broadcast %broadcast_in_dim3A_50 : f32 to vector<16xf32>
      %swap3A_52 = arith.index_cast %scan3A_37 : i32 to index
      %swap3A_53 = arith.constant 32 : index
      %swap3A_54 = tpu.vector_load %arg8[%swap3A_52, %swap3A_53] {strides = array<i32>} : memref<128x128xf32, #tpu.memory_space<vmem>>, vector<1x16xf32>,
      %swap3A_55 = vector.shape_cast %swap3A_54 : vector<1x16xf32> to vector<16xf32>
      %swap3A_56 = vector.shape_cast %broadcast_in_dim3A_51 : vector<16xf32> to vector<1x16xf32>
      tpu.vector_store %arg8[%swap3A_52, %swap3A_53], %swap3A_56 {strides = array<i32>} : memref<128x128xf32, #tpu.memory_space<vmem>>, vector<1x16xf32>,
      %broadcast_in_dim3A_57 = arith.constant 0.000000e+00 : f32
      %broadcast_in_dim3A_58 = vector.broadcast %broadcast_in_dim3A_57 : f32 to vector<16xf32>
      %swap3A_59 = arith.index_cast %scan3A_37 : i32 to index
      %swap3A_60 = arith.constant 48 : index
      %swap3A_61 = tpu.vector_load %arg8[%swap3A_59, %swap3A_60] {strides = array<i32>} : memref<128x128xf32, #tpu.memory_space<vmem>>, vector<1x16xf32>,
      %swap3A_62 = vector.shape_cast %swap3A_61 : vector<1x16xf32> to vector<16xf32>
      %swap3A_63 = vector.shape_cast %broadcast_in_dim3A_58 : vector<16xf32> to vector<1x16xf32>
      tpu.vector_store %arg8[%swap3A_59, %swap3A_60], %swap3A_63 {strides = array<i32>} : memref<128x128xf32, #tpu.memory_space<vmem>>, vector<1x16xf32>,
      %broadcast_in_dim3A_64 = arith.constant 0.000000e+00 : f32
      %broadcast_in_dim3A_65 = vector.broadcast %broadcast_in_dim3A_64 : f32 to vector<16xf32>
      %swap3A_66 = arith.index_cast %scan3A_37 : i32 to index
      %swap3A_67 = arith.constant 64 : index
      %swap3A_68 = tpu.vector_load %arg8[%swap3A_66, %swap3A_67] {strides = array<i32>} : memref<128x128xf32, #tpu.memory_space<vmem>>, vector<1x16xf32>,
      %swap3A_69 = vector.shape_cast %swap3A_68 : vector<1x16xf32> to vector<16xf32>
      %swap3A_70 = vector.shape_cast %broadcast_in_dim3A_65 : vector<16xf32> to vector<1x16xf32>
      tpu.vector_store %arg8[%swap3A_66, %swap3A_67], %swap3A_70 {strides = array<i32>} : memref<128x128xf32, #tpu.memory_space<vmem>>, vector<1x16xf32>,
      %broadcast_in_dim3A_71 = arith.constant 0.000000e+00 : f32
      %broadcast_in_dim3A_72 = vector.broadcast %broadcast_in_dim3A_71 : f32 to vector<16xf32>
      %swap3A_73 = arith.index_cast %scan3A_37 : i32 to index
      %swap3A_74 = arith.constant 80 : index
      %swap3A_75 = tpu.vector_load %arg8[%swap3A_73, %swap3A_74] {strides = array<i32>} : memref<128x128xf32, #tpu.memory_space<vmem>>, vector<1x16xf32>,
      %swap3A_76 = vector.shape_cast %swap3A_75 : vector<1x16xf32> to vector<16xf32>
      %swap3A_77 = vector.shape_cast %broadcast_in_dim3A_72 : vector<16xf32> to vector<1x16xf32>
      tpu.vector_store %arg8[%swap3A_73, %swap3A_74], %swap3A_77 {strides = array<i32>} : memref<128x128xf32, #tpu.memory_space<vmem>>, vector<1x16xf32>,
      %broadcast_in_dim3A_78 = arith.constant 0.000000e+00 : f32
      %broadcast_in_dim3A_79 = vector.broadcast %broadcast_in_dim3A_78 : f32 to vector<16xf32>
      %swap3A_80 = arith.index_cast %scan3A_37 : i32 to index
      %swap3A_81 = arith.constant 96 : index
      %swap3A_82 = tpu.vector_load %arg8[%swap3A_80, %swap3A_81] {strides = array<i32>} : memref<128x128xf32, #tpu.memory_space<vmem>>, vector<1x16xf32>,
      %swap3A_83 = vector.shape_cast %swap3A_82 : vector<1x16xf32> to vector<16xf32>
      %swap3A_84 = vector.shape_cast %broadcast_in_dim3A_79 : vector<16xf32> to vector<1x16xf32>
      tpu.vector_store %arg8[%swap3A_80, %swap3A_81], %swap3A_84 {strides = array<i32>} : memref<128x128xf32, #tpu.memory_space<vmem>>, vector<1x16xf32>,
      %broadcast_in_dim3A_85 = arith.constant 0.000000e+00 : f32
      %broadcast_in_dim3A_86 = vector.broadcast %broadcast_in_dim3A_85 : f32 to vector<16xf32>
      %swap3A_87 = arith.index_cast %scan3A_37 : i32 to index
      %swap3A_88 = arith.constant 112 : index
      %swap3A_89 = tpu.vector_load %arg8[%swap3A_87, %swap3A_88] {strides = array<i32>} : memref<128x128xf32, #tpu.memory_space<vmem>>, vector<1x16xf32>,
      %swap3A_90 = vector.shape_cast %swap3A_89 : vector<1x16xf32> to vector<16xf32>
      %swap3A_91 = vector.shape_cast %broadcast_in_dim3A_86 : vector<16xf32> to vector<1x16xf32>
      tpu.vector_store %arg8[%swap3A_87, %swap3A_88], %swap3A_91 {strides = array<i32>} : memref<128x128xf32, #tpu.memory_space<vmem>>, vector<1x16xf32>,
    }
    %scan3A_4 = arith.constant 128 : i32
    %mul3A = arith.constant 624 : i32
    %mul3A_5 = arith.muli %arg1, %mul3A : i32
    %add3A = arith.constant 0 : i32
    %add3A_6 = arith.addi %mul3A_5, %add3A : i32
    "tpu.region"() ({
      %run_scoped3A = tpu.sem_alloc : memref<!tpu.dma_semaphore, #tpu.memory_space<semaphore_mem>>
      %dma_start3A = arith.constant 0 : i32
      %dma_start3A_37 = tpu.memref_slice %arg9[%add3A_6, %dma_start3A] : memref<10008x128xf32, #tpu.memory_space<vmem_shared>> -> memref<128x128xf32, #tpu.memory_space<vmem_shared>>
      %dma_start3A_38 = arith.constant 0 : i32
      %dma_start3A_39 = tpu.memref_slice %arg9[%add3A_6, %dma_start3A_38] : memref<10008x128xf32, #tpu.memory_space<vmem_shared>> -> memref<128x128xf32, #tpu.memory_space<vmem_shared>>
      tpu.enqueue_dma source(%arg8 : memref<128x128xf32, #tpu.memory_space<vmem>>) target(%dma_start3A_39 : memref<128x128xf32, #tpu.memory_space<vmem_shared>>) target_semaphore(%run_scoped3A : memref<!tpu.dma_semaphore, #tpu.memory_space<semaphore_mem>>)
      %dma_wait3A = arith.constant 0 : i32
      %dma_wait3A_40 = tpu.memref_slice %arg9[%add3A_6, %dma_wait3A] : memref<10008x128xf32, #tpu.memory_space<vmem_shared>> -> memref<128x128xf32, #tpu.memory_space<vmem_shared>>
      %dma_wait3A_41 = arith.constant 0 : i32
      %dma_wait3A_42 = tpu.memref_slice %arg9[%add3A_6, %dma_wait3A_41] : memref<10008x128xf32, #tpu.memory_space<vmem_shared>> -> memref<128x128xf32, #tpu.memory_space<vmem_shared>>
      tpu.wait_dma2 semaphore(%run_scoped3A : memref<!tpu.dma_semaphore, #tpu.memory_space<semaphore_mem>>) src(%arg8 : memref<128x128xf32, #tpu.memory_space<vmem>>) dst(%dma_wait3A_42 : memref<128x128xf32, #tpu.memory_space<vmem_shared>>)
      tpu.yield
    }) : () -> ()
    %add3A_7 = arith.constant 128 : i32
    %add3A_8 = arith.addi %mul3A_5, %add3A_7 : i32
    "tpu.region"() ({
      %run_scoped3A = tpu.sem_alloc : memref<!tpu.dma_semaphore, #tpu.memory_space<semaphore_mem>>
      %dma_start3A = arith.constant 0 : i32
      %dma_start3A_37 = tpu.memref_slice %arg9[%add3A_8, %dma_start3A] : memref<10008x128xf32, #tpu.memory_space<vmem_shared>> -> memref<128x128xf32, #tpu.memory_space<vmem_shared>>
      %dma_start3A_38 = arith.constant 0 : i32
      %dma_start3A_39 = tpu.memref_slice %arg9[%add3A_8, %dma_start3A_38] : memref<10008x128xf32, #tpu.memory_space<vmem_shared>> -> memref<128x128xf32, #tpu.memory_space<vmem_shared>>
      tpu.enqueue_dma source(%arg8 : memref<128x128xf32, #tpu.memory_space<vmem>>) target(%dma_start3A_39 : memref<128x128xf32, #tpu.memory_space<vmem_shared>>) target_semaphore(%run_scoped3A : memref<!tpu.dma_semaphore, #tpu.memory_space<semaphore_mem>>)
      %dma_wait3A = arith.constant 0 : i32
      %dma_wait3A_40 = tpu.memref_slice %arg9[%add3A_8, %dma_wait3A] : memref<10008x128xf32, #tpu.memory_space<vmem_shared>> -> memref<128x128xf32, #tpu.memory_space<vmem_shared>>
      %dma_wait3A_41 = arith.constant 0 : i32
      %dma_wait3A_42 = tpu.memref_slice %arg9[%add3A_8, %dma_wait3A_41] : memref<10008x128xf32, #tpu.memory_space<vmem_shared>> -> memref<128x128xf32, #tpu.memory_space<vmem_shared>>
      tpu.wait_dma2 semaphore(%run_scoped3A : memref<!tpu.dma_semaphore, #tpu.memory_space<semaphore_mem>>) src(%arg8 : memref<128x128xf32, #tpu.memory_space<vmem>>) dst(%dma_wait3A_42 : memref<128x128xf32, #tpu.memory_space<vmem_shared>>)
      tpu.yield
    }) : () -> ()
    %add3A_9 = arith.constant 256 : i32
    %add3A_10 = arith.addi %mul3A_5, %add3A_9 : i32
    "tpu.region"() ({
      %run_scoped3A = tpu.sem_alloc : memref<!tpu.dma_semaphore, #tpu.memory_space<semaphore_mem>>
      %dma_start3A = arith.constant 0 : i32
      %dma_start3A_37 = tpu.memref_slice %arg9[%add3A_10, %dma_start3A] : memref<10008x128xf32, #tpu.memory_space<vmem_shared>> -> memref<128x128xf32, #tpu.memory_space<vmem_shared>>
      %dma_start3A_38 = arith.constant 0 : i32
      %dma_start3A_39 = tpu.memref_slice %arg9[%add3A_10, %dma_start3A_38] : memref<10008x128xf32, #tpu.memory_space<vmem_shared>> -> memref<128x128xf32, #tpu.memory_space<vmem_shared>>
      tpu.enqueue_dma source(%arg8 : memref<128x128xf32, #tpu.memory_space<vmem>>) target(%dma_start3A_39 : memref<128x128xf32, #tpu.memory_space<vmem_shared>>) target_semaphore(%run_scoped3A : memref<!tpu.dma_semaphore, #tpu.memory_space<semaphore_mem>>)
      %dma_wait3A = arith.constant 0 : i32
      %dma_wait3A_40 = tpu.memref_slice %arg9[%add3A_10, %dma_wait3A] : memref<10008x128xf32, #tpu.memory_space<vmem_shared>> -> memref<128x128xf32, #tpu.memory_space<vmem_shared>>
      %dma_wait3A_41 = arith.constant 0 : i32
      %dma_wait3A_42 = tpu.memref_slice %arg9[%add3A_10, %dma_wait3A_41] : memref<10008x128xf32, #tpu.memory_space<vmem_shared>> -> memref<128x128xf32, #tpu.memory_space<vmem_shared>>
      tpu.wait_dma2 semaphore(%run_scoped3A : memref<!tpu.dma_semaphore, #tpu.memory_space<semaphore_mem>>) src(%arg8 : memref<128x128xf32, #tpu.memory_space<vmem>>) dst(%dma_wait3A_42 : memref<128x128xf32, #tpu.memory_space<vmem_shared>>)
      tpu.yield
    }) : () -> ()
    %add3A_11 = arith.constant 384 : i32
    %add3A_12 = arith.addi %mul3A_5, %add3A_11 : i32
    "tpu.region"() ({
      %run_scoped3A = tpu.sem_alloc : memref<!tpu.dma_semaphore, #tpu.memory_space<semaphore_mem>>
      %dma_start3A = arith.constant 0 : i32
      %dma_start3A_37 = tpu.memref_slice %arg9[%add3A_12, %dma_start3A] : memref<10008x128xf32, #tpu.memory_space<vmem_shared>> -> memref<128x128xf32, #tpu.memory_space<vmem_shared>>
      %dma_start3A_38 = arith.constant 0 : i32
      %dma_start3A_39 = tpu.memref_slice %arg9[%add3A_12, %dma_start3A_38] : memref<10008x128xf32, #tpu.memory_space<vmem_shared>> -> memref<128x128xf32, #tpu.memory_space<vmem_shared>>
      tpu.enqueue_dma source(%arg8 : memref<128x128xf32, #tpu.memory_space<vmem>>) target(%dma_start3A_39 : memref<128x128xf32, #tpu.memory_space<vmem_shared>>) target_semaphore(%run_scoped3A : memref<!tpu.dma_semaphore, #tpu.memory_space<semaphore_mem>>)
      %dma_wait3A = arith.constant 0 : i32
      %dma_wait3A_40 = tpu.memref_slice %arg9[%add3A_12, %dma_wait3A] : memref<10008x128xf32, #tpu.memory_space<vmem_shared>> -> memref<128x128xf32, #tpu.memory_space<vmem_shared>>
      %dma_wait3A_41 = arith.constant 0 : i32
      %dma_wait3A_42 = tpu.memref_slice %arg9[%add3A_12, %dma_wait3A_41] : memref<10008x128xf32, #tpu.memory_space<vmem_shared>> -> memref<128x128xf32, #tpu.memory_space<vmem_shared>>
      tpu.wait_dma2 semaphore(%run_scoped3A : memref<!tpu.dma_semaphore, #tpu.memory_space<semaphore_mem>>) src(%arg8 : memref<128x128xf32, #tpu.memory_space<vmem>>) dst(%dma_wait3A_42 : memref<128x128xf32, #tpu.memory_space<vmem_shared>>)
      tpu.yield
    }) : () -> ()
    %add3A_13 = arith.constant 512 : i32
    %add3A_14 = arith.addi %mul3A_5, %add3A_13 : i32
    "tpu.region"() ({
      %run_scoped3A = tpu.sem_alloc : memref<!tpu.dma_semaphore, #tpu.memory_space<semaphore_mem>>
      %dma_start3A = arith.constant 0 : i32
      %dma_start3A_37 = arith.constant 0 : i32
      %dma_start3A_38 = tpu.memref_slice %arg8[%dma_start3A, %dma_start3A_37] : memref<128x128xf32, #tpu.memory_space<vmem>> -> memref<112x128xf32, #tpu.memory_space<vmem>>
      %dma_start3A_39 = arith.constant 0 : i32
      %dma_start3A_40 = tpu.memref_slice %arg9[%add3A_14, %dma_start3A_39] : memref<10008x128xf32, #tpu.memory_space<vmem_shared>> -> memref<112x128xf32, #tpu.memory_space<vmem_shared>>
      %dma_start3A_41 = arith.constant 0 : i32
      %dma_start3A_42 = tpu.memref_slice %arg9[%add3A_14, %dma_start3A_41] : memref<10008x128xf32, #tpu.memory_space<vmem_shared>> -> memref<112x128xf32, #tpu.memory_space<vmem_shared>>
      %dma_start3A_43 = arith.constant 0 : i32
      %dma_start3A_44 = arith.constant 0 : i32
      %dma_start3A_45 = tpu.memref_slice %arg8[%dma_start3A_43, %dma_start3A_44] : memref<128x128xf32, #tpu.memory_space<vmem>> -> memref<112x128xf32, #tpu.memory_space<vmem>>
      tpu.enqueue_dma source(%dma_start3A_45 : memref<112x128xf32, #tpu.memory_space<vmem>>) target(%dma_start3A_42 : memref<112x128xf32, #tpu.memory_space<vmem_shared>>) target_semaphore(%run_scoped3A : memref<!tpu.dma_semaphore, #tpu.memory_space<semaphore_mem>>)
      %dma_wait3A = arith.constant 0 : i32
      %dma_wait3A_46 = arith.constant 0 : i32
      %dma_wait3A_47 = tpu.memref_slice %arg8[%dma_wait3A, %dma_wait3A_46] : memref<128x128xf32, #tpu.memory_space<vmem>> -> memref<112x128xf32, #tpu.memory_space<vmem>>
      %dma_wait3A_48 = arith.constant 0 : i32
      %dma_wait3A_49 = tpu.memref_slice %arg9[%add3A_14, %dma_wait3A_48] : memref<10008x128xf32, #tpu.memory_space<vmem_shared>> -> memref<112x128xf32, #tpu.memory_space<vmem_shared>>
      %dma_wait3A_50 = arith.constant 0 : i32
      %dma_wait3A_51 = tpu.memref_slice %arg9[%add3A_14, %dma_wait3A_50] : memref<10008x128xf32, #tpu.memory_space<vmem_shared>> -> memref<112x128xf32, #tpu.memory_space<vmem_shared>>
      %dma_wait3A_52 = arith.constant 0 : i32
      %dma_wait3A_53 = arith.constant 0 : i32
      %dma_wait3A_54 = tpu.memref_slice %arg8[%dma_wait3A_52, %dma_wait3A_53] : memref<128x128xf32, #tpu.memory_space<vmem>> -> memref<112x128xf32, #tpu.memory_space<vmem>>
      tpu.wait_dma2 semaphore(%run_scoped3A : memref<!tpu.dma_semaphore, #tpu.memory_space<semaphore_mem>>) src(%dma_wait3A_54 : memref<112x128xf32, #tpu.memory_space<vmem>>) dst(%dma_wait3A_51 : memref<112x128xf32, #tpu.memory_space<vmem_shared>>)
      tpu.yield
    }) : () -> ()
    %eq3A = arith.constant 15 : i32
    %eq3A_15 = arith.cmpi eq, %arg1, %eq3A : i32
    %convert_element_type3A = arith.extui %eq3A_15 : i1 to i32
    %cond3A = arith.constant 0 : i32
    %cond3A_16 = arith.cmpi ne, %convert_element_type3A, %cond3A : i32
    scf.if %cond3A_16 {
      "tpu.region"() ({
        %run_scoped3A = tpu.sem_alloc : memref<!tpu.dma_semaphore, #tpu.memory_space<semaphore_mem>>
        %dma_start3A = arith.constant 0 : i32
        %dma_start3A_37 = arith.constant 0 : i32
        %dma_start3A_38 = tpu.memref_slice %arg8[%dma_start3A, %dma_start3A_37] : memref<128x128xf32, #tpu.memory_space<vmem>> -> memref<16x128xf32, #tpu.memory_space<vmem>>
        %dma_start3A_39 = arith.constant 9984 : i32
        %dma_start3A_40 = arith.constant 0 : i32
        %dma_start3A_41 = tpu.memref_slice %arg9[%dma_start3A_39, %dma_start3A_40] : memref<10008x128xf32, #tpu.memory_space<vmem_shared>> -> memref<16x128xf32, #tpu.memory_space<vmem_shared>>
        %dma_start3A_42 = arith.constant 9984 : i32
        %dma_start3A_43 = arith.constant 0 : i32
        %dma_start3A_44 = tpu.memref_slice %arg9[%dma_start3A_42, %dma_start3A_43] : memref<10008x128xf32, #tpu.memory_space<vmem_shared>> -> memref<16x128xf32, #tpu.memory_space<vmem_shared>>
        %dma_start3A_45 = arith.constant 0 : i32
        %dma_start3A_46 = arith.constant 0 : i32
        %dma_start3A_47 = tpu.memref_slice %arg8[%dma_start3A_45, %dma_start3A_46] : memref<128x128xf32, #tpu.memory_space<vmem>> -> memref<16x128xf32, #tpu.memory_space<vmem>>
        tpu.enqueue_dma source(%dma_start3A_47 : memref<16x128xf32, #tpu.memory_space<vmem>>) target(%dma_start3A_44 : memref<16x128xf32, #tpu.memory_space<vmem_shared>>) target_semaphore(%run_scoped3A : memref<!tpu.dma_semaphore, #tpu.memory_space<semaphore_mem>>)
        %dma_wait3A = arith.constant 0 : i32
        %dma_wait3A_48 = arith.constant 0 : i32
        %dma_wait3A_49 = tpu.memref_slice %arg8[%dma_wait3A, %dma_wait3A_48] : memref<128x128xf32, #tpu.memory_space<vmem>> -> memref<16x128xf32, #tpu.memory_space<vmem>>
        %dma_wait3A_50 = arith.constant 9984 : i32
        %dma_wait3A_51 = arith.constant 0 : i32
        %dma_wait3A_52 = tpu.memref_slice %arg9[%dma_wait3A_50, %dma_wait3A_51] : memref<10008x128xf32, #tpu.memory_space<vmem_shared>> -> memref<16x128xf32, #tpu.memory_space<vmem_shared>>
        %dma_wait3A_53 = arith.constant 9984 : i32
        %dma_wait3A_54 = arith.constant 0 : i32
        %dma_wait3A_55 = tpu.memref_slice %arg9[%dma_wait3A_53, %dma_wait3A_54] : memref<10008x128xf32, #tpu.memory_space<vmem_shared>> -> memref<16x128xf32, #tpu.memory_space<vmem_shared>>
        %dma_wait3A_56 = arith.constant 0 : i32
        %dma_wait3A_57 = arith.constant 0 : i32
        %dma_wait3A_58 = tpu.memref_slice %arg8[%dma_wait3A_56, %dma_wait3A_57] : memref<128x128xf32, #tpu.memory_space<vmem>> -> memref<16x128xf32, #tpu.memory_space<vmem>>
        tpu.wait_dma2 semaphore(%run_scoped3A : memref<!tpu.dma_semaphore, #tpu.memory_space<semaphore_mem>>) src(%dma_wait3A_58 : memref<16x128xf32, #tpu.memory_space<vmem>>) dst(%dma_wait3A_55 : memref<16x128xf32, #tpu.memory_space<vmem_shared>>)
        tpu.yield
      }) : () -> ()
    } else {
    }
    %barrier3A = arith.constant 0 : index
    tpu.barrier barrier_id(%barrier3A)
    %mul3A_17 = arith.constant 10240 : i32
    %mul3A_18 = arith.muli %arg1, %mul3A_17 : i32
    %mul3A_19 = arith.constant 163840 : i32
    %mul3A_20 = arith.muli %arg0, %mul3A_19 : i32
    %add3A_21 = arith.addi %mul3A_20, %mul3A_18 : i32
    %scan3A_22 = arith.constant 0 : i32
    %scan3A_23 = arith.constant 0 : i32
    %scan3A_24 = arith.constant 80 : i32
    %scan3A_25 = arith.addi %scan3A_23, %scan3A_24 : i32
    %scan3A_26 = arith.constant 1 : i32
    scf.for %scan3A_37 = %scan3A_23 to %scan3A_25 step %scan3A_26  : i32 {
      %mul3A_38 = arith.constant 128 : i32
      %mul3A_39 = arith.muli %scan3A_37, %mul3A_38 : i32
      %add3A_40 = arith.addi %add3A_21, %mul3A_39 : i32
      "tpu.region"() ({
        %run_scoped3A = tpu.sem_alloc : memref<!tpu.dma_semaphore, #tpu.memory_space<semaphore_mem>>
        %dma_start3A_46 = tpu.memref_slice %arg3[%add3A_40] : memref<327680xi32, #tpu.memory_space<hbm>> -> memref<128xi32, #tpu.memory_space<hbm>>
        %dma_start3A_47 = tpu.memref_slice %arg3[%add3A_40] : memref<327680xi32, #tpu.memory_space<hbm>> -> memref<128xi32, #tpu.memory_space<hbm>>
        tpu.enqueue_dma source(%dma_start3A_47 : memref<128xi32, #tpu.memory_space<hbm>>) target(%arg6 : memref<128xi32, #tpu.memory_space<vmem>>) target_semaphore(%run_scoped3A : memref<!tpu.dma_semaphore, #tpu.memory_space<semaphore_mem>>)
        %dma_wait3A_48 = tpu.memref_slice %arg3[%add3A_40] : memref<327680xi32, #tpu.memory_space<hbm>> -> memref<128xi32, #tpu.memory_space<hbm>>
        %dma_wait3A_49 = tpu.memref_slice %arg3[%add3A_40] : memref<327680xi32, #tpu.memory_space<hbm>> -> memref<128xi32, #tpu.memory_space<hbm>>
        tpu.wait_dma2 semaphore(%run_scoped3A : memref<!tpu.dma_semaphore, #tpu.memory_space<semaphore_mem>>) src(%dma_wait3A_49 : memref<128xi32, #tpu.memory_space<hbm>>) dst(%arg6 : memref<128xi32, #tpu.memory_space<vmem>>)
        tpu.yield
      }) : () -> ()
      %add3A_41 = arith.addi %mul3A_18, %mul3A_39 : i32
      "tpu.region"() ({
        %run_scoped3A = tpu.sem_alloc : memref<!tpu.dma_semaphore, #tpu.memory_space<semaphore_mem>>
        %dma_start3A_46 = tpu.memref_slice %arg4[%add3A_41] : memref<163840xi32, #tpu.memory_space<hbm>> -> memref<128xi32, #tpu.memory_space<hbm>>
        %dma_start3A_47 = tpu.memref_slice %arg4[%add3A_41] : memref<163840xi32, #tpu.memory_space<hbm>> -> memref<128xi32, #tpu.memory_space<hbm>>
        tpu.enqueue_dma source(%dma_start3A_47 : memref<128xi32, #tpu.memory_space<hbm>>) target(%arg7 : memref<128xi32, #tpu.memory_space<vmem>>) target_semaphore(%run_scoped3A : memref<!tpu.dma_semaphore, #tpu.memory_space<semaphore_mem>>)
        %dma_wait3A_48 = tpu.memref_slice %arg4[%add3A_41] : memref<163840xi32, #tpu.memory_space<hbm>> -> memref<128xi32, #tpu.memory_space<hbm>>
        %dma_wait3A_49 = tpu.memref_slice %arg4[%add3A_41] : memref<163840xi32, #tpu.memory_space<hbm>> -> memref<128xi32, #tpu.memory_space<hbm>>
        tpu.wait_dma2 semaphore(%run_scoped3A : memref<!tpu.dma_semaphore, #tpu.memory_space<semaphore_mem>>) src(%dma_wait3A_49 : memref<128xi32, #tpu.memory_space<hbm>>) dst(%arg7 : memref<128xi32, #tpu.memory_space<vmem>>)
        tpu.yield
      }) : () -> ()
      %dma_start3A = arith.constant 0 : i32
      %dma_start3A_42 = arith.constant 0 : i32
      %dma_start3A_43 = tpu.memref_slice %arg2[%dma_start3A, %dma_start3A_42] : memref<20000x128xf32, #tpu.memory_space<hbm>> -> memref<20000x128xf32, #tpu.memory_space<hbm>>
      tpu.enqueue_indirect_dma source(%dma_start3A_43 : memref<20000x128xf32, #tpu.memory_space<hbm>>) target(%arg8 : memref<128x128xf32, #tpu.memory_space<vmem>>) offsets(%arg6 : memref<128xi32, #tpu.memory_space<vmem>>) semaphore(%arg10 : memref<!tpu.dma_semaphore, #tpu.memory_space<semaphore_mem>>)
      %dma_wait3A = arith.constant 0 : i32
      %dma_wait3A_44 = arith.constant 0 : i32
      %dma_wait3A_45 = tpu.memref_slice %arg2[%dma_wait3A, %dma_wait3A_44] : memref<20000x128xf32, #tpu.memory_space<hbm>> -> memref<20000x128xf32, #tpu.memory_space<hbm>>
      tpu.wait_indirect_dma semaphore(%arg10 : memref<!tpu.dma_semaphore, #tpu.memory_space<semaphore_mem>>) src(%dma_wait3A_45 : memref<20000x128xf32, #tpu.memory_space<hbm>>) dst(%arg8 : memref<128x128xf32, #tpu.memory_space<vmem>>)
      "tpu.region"() ({
        %run_scoped3A = tpu.sem_alloc : memref<!tpu.dma_semaphore, #tpu.memory_space<semaphore_mem>>
        %dma_start3A_46 = arith.constant 0 : i32
        %dma_start3A_47 = arith.constant 0 : i32
        %dma_start3A_48 = tpu.memref_slice %arg9[%dma_start3A_46, %dma_start3A_47] : memref<10008x128xf32, #tpu.memory_space<vmem_shared>> -> memref<10008x128xf32, #tpu.memory_space<vmem_shared>>
        tpu.enqueue_indirect_dma source(%arg8 : memref<128x128xf32, #tpu.memory_space<vmem>>) target(%dma_start3A_48 : memref<10008x128xf32, #tpu.memory_space<vmem_shared>>) offsets(%arg7 : memref<128xi32, #tpu.memory_space<vmem>>) semaphore(%run_scoped3A : memref<!tpu.dma_semaphore, #tpu.memory_space<semaphore_mem>>) {add = true}
        %dma_wait3A_49 = arith.constant 0 : i32
        %dma_wait3A_50 = arith.constant 0 : i32
        %dma_wait3A_51 = tpu.memref_slice %arg9[%dma_wait3A_49, %dma_wait3A_50] : memref<10008x128xf32, #tpu.memory_space<vmem_shared>> -> memref<10008x128xf32, #tpu.memory_space<vmem_shared>>
        tpu.wait_indirect_dma semaphore(%run_scoped3A : memref<!tpu.dma_semaphore, #tpu.memory_space<semaphore_mem>>) src(%arg8 : memref<128x128xf32, #tpu.memory_space<vmem>>) dst(%dma_wait3A_51 : memref<10008x128xf32, #tpu.memory_space<vmem_shared>>)
        tpu.yield
      }) : () -> ()
    }
    %scan3A_27 = arith.constant 80 : i32
    %barrier3A_28 = arith.constant 0 : index
    tpu.barrier barrier_id(%barrier3A_28)
    %mul3A_29 = arith.constant 10000 : i32
    %mul3A_30 = arith.muli %arg0, %mul3A_29 : i32
    %add3A_31 = arith.addi %mul3A_30, %mul3A_5 : i32
    "tpu.region"() ({
      %run_scoped3A = tpu.sem_alloc : memref<!tpu.dma_semaphore, #tpu.memory_space<semaphore_mem>>
      %dma_start3A = arith.constant 0 : i32
      %dma_start3A_37 = tpu.memref_slice %arg5[%add3A_31, %dma_start3A] : memref<20000x128xf32, #tpu.memory_space<hbm>> -> memref<624x128xf32, #tpu.memory_space<hbm>>
      %dma_start3A_38 = arith.constant 0 : i32
      %dma_start3A_39 = tpu.memref_slice %arg9[%mul3A_5, %dma_start3A_38] : memref<10008x128xf32, #tpu.memory_space<vmem_shared>> -> memref<624x128xf32, #tpu.memory_space<vmem_shared>>
      tpu.enqueue_dma source(%dma_start3A_39 : memref<624x128xf32, #tpu.memory_space<vmem_shared>>) target(%dma_start3A_37 : memref<624x128xf32, #tpu.memory_space<hbm>>) target_semaphore(%run_scoped3A : memref<!tpu.dma_semaphore, #tpu.memory_space<semaphore_mem>>)
      %dma_wait3A = arith.constant 0 : i32
      %dma_wait3A_40 = tpu.memref_slice %arg5[%add3A_31, %dma_wait3A] : memref<20000x128xf32, #tpu.memory_space<hbm>> -> memref<624x128xf32, #tpu.memory_space<hbm>>
      %dma_wait3A_41 = arith.constant 0 : i32
      %dma_wait3A_42 = tpu.memref_slice %arg9[%mul3A_5, %dma_wait3A_41] : memref<10008x128xf32, #tpu.memory_space<vmem_shared>> -> memref<624x128xf32, #tpu.memory_space<vmem_shared>>
      tpu.wait_dma2 semaphore(%run_scoped3A : memref<!tpu.dma_semaphore, #tpu.memory_space<semaphore_mem>>) src(%dma_wait3A_42 : memref<624x128xf32, #tpu.memory_space<vmem_shared>>) dst(%dma_wait3A_40 : memref<624x128xf32, #tpu.memory_space<hbm>>)
      tpu.yield
    }) : () -> ()
    %eq3A_32 = arith.constant 15 : i32
    %eq3A_33 = arith.cmpi eq, %arg1, %eq3A_32 : i32
    %convert_element_type3A_34 = arith.extui %eq3A_33 : i1 to i32
    %cond3A_35 = arith.constant 0 : i32
    %cond3A_36 = arith.cmpi ne, %convert_element_type3A_34, %cond3A_35 : i32
    scf.if %cond3A_36 {
      %mul3A_37 = arith.constant 10000 : i32
      %mul3A_38 = arith.muli %arg0, %mul3A_37 : i32
      %add3A_39 = arith.constant 9984 : i32
      %add3A_40 = arith.addi %mul3A_38, %add3A_39 : i32
      "tpu.region"() ({
        %run_scoped3A = tpu.sem_alloc : memref<!tpu.dma_semaphore, #tpu.memory_space<semaphore_mem>>
        %dma_start3A = arith.constant 0 : i32
        %dma_start3A_41 = tpu.memref_slice %arg5[%add3A_40, %dma_start3A] : memref<20000x128xf32, #tpu.memory_space<hbm>> -> memref<16x128xf32, #tpu.memory_space<hbm>>
        %dma_start3A_42 = arith.constant 9984 : i32
        %dma_start3A_43 = arith.constant 0 : i32
        %dma_start3A_44 = tpu.memref_slice %arg9[%dma_start3A_42, %dma_start3A_43] : memref<10008x128xf32, #tpu.memory_space<vmem_shared>> -> memref<16x128xf32, #tpu.memory_space<vmem_shared>>
        tpu.enqueue_dma source(%dma_start3A_44 : memref<16x128xf32, #tpu.memory_space<vmem_shared>>) target(%dma_start3A_41 : memref<16x128xf32, #tpu.memory_space<hbm>>) target_semaphore(%run_scoped3A : memref<!tpu.dma_semaphore, #tpu.memory_space<semaphore_mem>>)
        %dma_wait3A = arith.constant 0 : i32
        %dma_wait3A_45 = tpu.memref_slice %arg5[%add3A_40, %dma_wait3A] : memref<20000x128xf32, #tpu.memory_space<hbm>> -> memref<16x128xf32, #tpu.memory_space<hbm>>
        %dma_wait3A_46 = arith.constant 9984 : i32
        %dma_wait3A_47 = arith.constant 0 : i32
        %dma_wait3A_48 = tpu.memref_slice %arg9[%dma_wait3A_46, %dma_wait3A_47] : memref<10008x128xf32, #tpu.memory_space<vmem_shared>> -> memref<16x128xf32, #tpu.memory_space<vmem_shared>>
        tpu.wait_dma2 semaphore(%run_scoped3A : memref<!tpu.dma_semaphore, #tpu.memory_space<semaphore_mem>>) src(%dma_wait3A_48 : memref<16x128xf32, #tpu.memory_space<vmem_shared>>) dst(%dma_wait3A_45 : memref<16x128xf32, #tpu.memory_space<hbm>>)
        tpu.yield
      }) : () -> ()
    } else {
    }
    return
  }
}

#map = affine_map<(d0, d1) -> (0, 0)>
#map1 = affine_map<(d0, d1) -> (0)>
module attributes {stable_mosaic.version = 14 : i64} {
  func.func @_segsum_body(%arg0: i32, %arg1: i32, %arg2: memref<20000x128xf32, #tpu.memory_space<hbm>>, %arg3: memref<327680xi32, #tpu.memory_space<hbm>>, %arg4: memref<163840xi32, #tpu.memory_space<hbm>>, %arg5: memref<20000x128xf32, #tpu.memory_space<hbm>>, %arg6: memref<128xi32, #tpu.memory_space<vmem>>, %arg7: memref<128xi32, #tpu.memory_space<vmem>>, %arg8: memref<128x128xf32, #tpu.memory_space<vmem>>, %arg9: memref<10008x128xf32, #tpu.memory_space<vmem_shared>>, %arg10: memref<!tpu.dma_semaphore, #tpu.memory_space<semaphore_mem>>) attributes {dimension_semantics = [#tpu.dimension_semantics<core_parallel>, #tpu.dimension_semantics<subcore_parallel>], iteration_bounds = array<i64: 2, 16>, scalar_prefetch = 0 : i64, scratch_operands = 5 : i64, tpu.core_type = #tpu.core_type<sc_vector_subcore>, window_params = [{transform_indices = #map}, {transform_indices = #map1}, {transform_indices = #map1}, {transform_indices = #map}]} {
    %scan3A = arith.constant 0 : i32
    %scan3A_0 = arith.constant 0 : i32
    %scan3A_1 = arith.constant 128 : i32
    %scan3A_2 = arith.addi %scan3A_0, %scan3A_1 : i32
    %scan3A_3 = arith.constant 1 : i32
    scf.for %scan3A_37 = %scan3A_0 to %scan3A_2 step %scan3A_3  : i32 {
      %broadcast_in_dim3A = arith.constant 0.000000e+00 : f32
      %broadcast_in_dim3A_38 = vector.broadcast %broadcast_in_dim3A : f32 to vector<16xf32>
      %swap3A = arith.index_cast %scan3A_37 : i32 to index
      %swap3A_39 = arith.constant 0 : index
      %swap3A_40 = tpu.vector_load %arg8[%swap3A, %swap3A_39] {strides = array<i32>} : memref<128x128xf32, #tpu.memory_space<vmem>>, vector<1x16xf32>,
      %swap3A_41 = vector.shape_cast %swap3A_40 : vector<1x16xf32> to vector<16xf32>
      %swap3A_42 = vector.shape_cast %broadcast_in_dim3A_38 : vector<16xf32> to vector<1x16xf32>
      tpu.vector_store %arg8[%swap3A, %swap3A_39], %swap3A_42 {strides = array<i32>} : memref<128x128xf32, #tpu.memory_space<vmem>>, vector<1x16xf32>,
      %broadcast_in_dim3A_43 = arith.constant 0.000000e+00 : f32
      %broadcast_in_dim3A_44 = vector.broadcast %broadcast_in_dim3A_43 : f32 to vector<16xf32>
      %swap3A_45 = arith.index_cast %scan3A_37 : i32 to index
      %swap3A_46 = arith.constant 16 : index
      %swap3A_47 = tpu.vector_load %arg8[%swap3A_45, %swap3A_46] {strides = array<i32>} : memref<128x128xf32, #tpu.memory_space<vmem>>, vector<1x16xf32>,
      %swap3A_48 = vector.shape_cast %swap3A_47 : vector<1x16xf32> to vector<16xf32>
      %swap3A_49 = vector.shape_cast %broadcast_in_dim3A_44 : vector<16xf32> to vector<1x16xf32>
      tpu.vector_store %arg8[%swap3A_45, %swap3A_46], %swap3A_49 {strides = array<i32>} : memref<128x128xf32, #tpu.memory_space<vmem>>, vector<1x16xf32>,
      %broadcast_in_dim3A_50 = arith.constant 0.000000e+00 : f32
      %broadcast_in_dim3A_51 = vector.broadcast %broadcast_in_dim3A_50 : f32 to vector<16xf32>
      %swap3A_52 = arith.index_cast %scan3A_37 : i32 to index
      %swap3A_53 = arith.constant 32 : index
      %swap3A_54 = tpu.vector_load %arg8[%swap3A_52, %swap3A_53] {strides = array<i32>} : memref<128x128xf32, #tpu.memory_space<vmem>>, vector<1x16xf32>,
      %swap3A_55 = vector.shape_cast %swap3A_54 : vector<1x16xf32> to vector<16xf32>
      %swap3A_56 = vector.shape_cast %broadcast_in_dim3A_51 : vector<16xf32> to vector<1x16xf32>
      tpu.vector_store %arg8[%swap3A_52, %swap3A_53], %swap3A_56 {strides = array<i32>} : memref<128x128xf32, #tpu.memory_space<vmem>>, vector<1x16xf32>,
      %broadcast_in_dim3A_57 = arith.constant 0.000000e+00 : f32
      %broadcast_in_dim3A_58 = vector.broadcast %broadcast_in_dim3A_57 : f32 to vector<16xf32>
      %swap3A_59 = arith.index_cast %scan3A_37 : i32 to index
      %swap3A_60 = arith.constant 48 : index
      %swap3A_61 = tpu.vector_load %arg8[%swap3A_59, %swap3A_60] {strides = array<i32>} : memref<128x128xf32, #tpu.memory_space<vmem>>, vector<1x16xf32>,
      %swap3A_62 = vector.shape_cast %swap3A_61 : vector<1x16xf32> to vector<16xf32>
      %swap3A_63 = vector.shape_cast %broadcast_in_dim3A_58 : vector<16xf32> to vector<1x16xf32>
      tpu.vector_store %arg8[%swap3A_59, %swap3A_60], %swap3A_63 {strides = array<i32>} : memref<128x128xf32, #tpu.memory_space<vmem>>, vector<1x16xf32>,
      %broadcast_in_dim3A_64 = arith.constant 0.000000e+00 : f32
      %broadcast_in_dim3A_65 = vector.broadcast %broadcast_in_dim3A_64 : f32 to vector<16xf32>
      %swap3A_66 = arith.index_cast %scan3A_37 : i32 to index
      %swap3A_67 = arith.constant 64 : index
      %swap3A_68 = tpu.vector_load %arg8[%swap3A_66, %swap3A_67] {strides = array<i32>} : memref<128x128xf32, #tpu.memory_space<vmem>>, vector<1x16xf32>,
      %swap3A_69 = vector.shape_cast %swap3A_68 : vector<1x16xf32> to vector<16xf32>
      %swap3A_70 = vector.shape_cast %broadcast_in_dim3A_65 : vector<16xf32> to vector<1x16xf32>
      tpu.vector_store %arg8[%swap3A_66, %swap3A_67], %swap3A_70 {strides = array<i32>} : memref<128x128xf32, #tpu.memory_space<vmem>>, vector<1x16xf32>,
      %broadcast_in_dim3A_71 = arith.constant 0.000000e+00 : f32
      %broadcast_in_dim3A_72 = vector.broadcast %broadcast_in_dim3A_71 : f32 to vector<16xf32>
      %swap3A_73 = arith.index_cast %scan3A_37 : i32 to index
      %swap3A_74 = arith.constant 80 : index
      %swap3A_75 = tpu.vector_load %arg8[%swap3A_73, %swap3A_74] {strides = array<i32>} : memref<128x128xf32, #tpu.memory_space<vmem>>, vector<1x16xf32>,
      %swap3A_76 = vector.shape_cast %swap3A_75 : vector<1x16xf32> to vector<16xf32>
      %swap3A_77 = vector.shape_cast %broadcast_in_dim3A_72 : vector<16xf32> to vector<1x16xf32>
      tpu.vector_store %arg8[%swap3A_73, %swap3A_74], %swap3A_77 {strides = array<i32>} : memref<128x128xf32, #tpu.memory_space<vmem>>, vector<1x16xf32>,
      %broadcast_in_dim3A_78 = arith.constant 0.000000e+00 : f32
      %broadcast_in_dim3A_79 = vector.broadcast %broadcast_in_dim3A_78 : f32 to vector<16xf32>
      %swap3A_80 = arith.index_cast %scan3A_37 : i32 to index
      %swap3A_81 = arith.constant 96 : index
      %swap3A_82 = tpu.vector_load %arg8[%swap3A_80, %swap3A_81] {strides = array<i32>} : memref<128x128xf32, #tpu.memory_space<vmem>>, vector<1x16xf32>,
      %swap3A_83 = vector.shape_cast %swap3A_82 : vector<1x16xf32> to vector<16xf32>
      %swap3A_84 = vector.shape_cast %broadcast_in_dim3A_79 : vector<16xf32> to vector<1x16xf32>
      tpu.vector_store %arg8[%swap3A_80, %swap3A_81], %swap3A_84 {strides = array<i32>} : memref<128x128xf32, #tpu.memory_space<vmem>>, vector<1x16xf32>,
      %broadcast_in_dim3A_85 = arith.constant 0.000000e+00 : f32
      %broadcast_in_dim3A_86 = vector.broadcast %broadcast_in_dim3A_85 : f32 to vector<16xf32>
      %swap3A_87 = arith.index_cast %scan3A_37 : i32 to index
      %swap3A_88 = arith.constant 112 : index
      %swap3A_89 = tpu.vector_load %arg8[%swap3A_87, %swap3A_88] {strides = array<i32>} : memref<128x128xf32, #tpu.memory_space<vmem>>, vector<1x16xf32>,
      %swap3A_90 = vector.shape_cast %swap3A_89 : vector<1x16xf32> to vector<16xf32>
      %swap3A_91 = vector.shape_cast %broadcast_in_dim3A_86 : vector<16xf32> to vector<1x16xf32>
      tpu.vector_store %arg8[%swap3A_87, %swap3A_88], %swap3A_91 {strides = array<i32>} : memref<128x128xf32, #tpu.memory_space<vmem>>, vector<1x16xf32>,
    }
    %scan3A_4 = arith.constant 128 : i32
    %mul3A = arith.constant 624 : i32
    %mul3A_5 = arith.muli %arg1, %mul3A : i32
    %add3A = arith.constant 0 : i32
    %add3A_6 = arith.addi %mul3A_5, %add3A : i32
    "tpu.region"() ({
      %run_scoped3A = tpu.sem_alloc : memref<!tpu.dma_semaphore, #tpu.memory_space<semaphore_mem>>
      %dma_start3A = arith.constant 0 : i32
      %dma_start3A_37 = tpu.memref_slice %arg9[%add3A_6, %dma_start3A] : memref<10008x128xf32, #tpu.memory_space<vmem_shared>> -> memref<128x128xf32, #tpu.memory_space<vmem_shared>>
      %dma_start3A_38 = arith.constant 0 : i32
      %dma_start3A_39 = tpu.memref_slice %arg9[%add3A_6, %dma_start3A_38] : memref<10008x128xf32, #tpu.memory_space<vmem_shared>> -> memref<128x128xf32, #tpu.memory_space<vmem_shared>>
      tpu.enqueue_dma source(%arg8 : memref<128x128xf32, #tpu.memory_space<vmem>>) target(%dma_start3A_39 : memref<128x128xf32, #tpu.memory_space<vmem_shared>>) target_semaphore(%run_scoped3A : memref<!tpu.dma_semaphore, #tpu.memory_space<semaphore_mem>>)
      %dma_wait3A = arith.constant 0 : i32
      %dma_wait3A_40 = tpu.memref_slice %arg9[%add3A_6, %dma_wait3A] : memref<10008x128xf32, #tpu.memory_space<vmem_shared>> -> memref<128x128xf32, #tpu.memory_space<vmem_shared>>
      %dma_wait3A_41 = arith.constant 0 : i32
      %dma_wait3A_42 = tpu.memref_slice %arg9[%add3A_6, %dma_wait3A_41] : memref<10008x128xf32, #tpu.memory_space<vmem_shared>> -> memref<128x128xf32, #tpu.memory_space<vmem_shared>>
      tpu.wait_dma2 semaphore(%run_scoped3A : memref<!tpu.dma_semaphore, #tpu.memory_space<semaphore_mem>>) src(%arg8 : memref<128x128xf32, #tpu.memory_space<vmem>>) dst(%dma_wait3A_42 : memref<128x128xf32, #tpu.memory_space<vmem_shared>>)
      tpu.yield
    }) : () -> ()
    %add3A_7 = arith.constant 128 : i32
    %add3A_8 = arith.addi %mul3A_5, %add3A_7 : i32
    "tpu.region"() ({
      %run_scoped3A = tpu.sem_alloc : memref<!tpu.dma_semaphore, #tpu.memory_space<semaphore_mem>>
      %dma_start3A = arith.constant 0 : i32
      %dma_start3A_37 = tpu.memref_slice %arg9[%add3A_8, %dma_start3A] : memref<10008x128xf32, #tpu.memory_space<vmem_shared>> -> memref<128x128xf32, #tpu.memory_space<vmem_shared>>
      %dma_start3A_38 = arith.constant 0 : i32
      %dma_start3A_39 = tpu.memref_slice %arg9[%add3A_8, %dma_start3A_38] : memref<10008x128xf32, #tpu.memory_space<vmem_shared>> -> memref<128x128xf32, #tpu.memory_space<vmem_shared>>
      tpu.enqueue_dma source(%arg8 : memref<128x128xf32, #tpu.memory_space<vmem>>) target(%dma_start3A_39 : memref<128x128xf32, #tpu.memory_space<vmem_shared>>) target_semaphore(%run_scoped3A : memref<!tpu.dma_semaphore, #tpu.memory_space<semaphore_mem>>)
      %dma_wait3A = arith.constant 0 : i32
      %dma_wait3A_40 = tpu.memref_slice %arg9[%add3A_8, %dma_wait3A] : memref<10008x128xf32, #tpu.memory_space<vmem_shared>> -> memref<128x128xf32, #tpu.memory_space<vmem_shared>>
      %dma_wait3A_41 = arith.constant 0 : i32
      %dma_wait3A_42 = tpu.memref_slice %arg9[%add3A_8, %dma_wait3A_41] : memref<10008x128xf32, #tpu.memory_space<vmem_shared>> -> memref<128x128xf32, #tpu.memory_space<vmem_shared>>
      tpu.wait_dma2 semaphore(%run_scoped3A : memref<!tpu.dma_semaphore, #tpu.memory_space<semaphore_mem>>) src(%arg8 : memref<128x128xf32, #tpu.memory_space<vmem>>) dst(%dma_wait3A_42 : memref<128x128xf32, #tpu.memory_space<vmem_shared>>)
      tpu.yield
    }) : () -> ()
    %add3A_9 = arith.constant 256 : i32
    %add3A_10 = arith.addi %mul3A_5, %add3A_9 : i32
    "tpu.region"() ({
      %run_scoped3A = tpu.sem_alloc : memref<!tpu.dma_semaphore, #tpu.memory_space<semaphore_mem>>
      %dma_start3A = arith.constant 0 : i32
      %dma_start3A_37 = tpu.memref_slice %arg9[%add3A_10, %dma_start3A] : memref<10008x128xf32, #tpu.memory_space<vmem_shared>> -> memref<128x128xf32, #tpu.memory_space<vmem_shared>>
      %dma_start3A_38 = arith.constant 0 : i32
      %dma_start3A_39 = tpu.memref_slice %arg9[%add3A_10, %dma_start3A_38] : memref<10008x128xf32, #tpu.memory_space<vmem_shared>> -> memref<128x128xf32, #tpu.memory_space<vmem_shared>>
      tpu.enqueue_dma source(%arg8 : memref<128x128xf32, #tpu.memory_space<vmem>>) target(%dma_start3A_39 : memref<128x128xf32, #tpu.memory_space<vmem_shared>>) target_semaphore(%run_scoped3A : memref<!tpu.dma_semaphore, #tpu.memory_space<semaphore_mem>>)
      %dma_wait3A = arith.constant 0 : i32
      %dma_wait3A_40 = tpu.memref_slice %arg9[%add3A_10, %dma_wait3A] : memref<10008x128xf32, #tpu.memory_space<vmem_shared>> -> memref<128x128xf32, #tpu.memory_space<vmem_shared>>
      %dma_wait3A_41 = arith.constant 0 : i32
      %dma_wait3A_42 = tpu.memref_slice %arg9[%add3A_10, %dma_wait3A_41] : memref<10008x128xf32, #tpu.memory_space<vmem_shared>> -> memref<128x128xf32, #tpu.memory_space<vmem_shared>>
      tpu.wait_dma2 semaphore(%run_scoped3A : memref<!tpu.dma_semaphore, #tpu.memory_space<semaphore_mem>>) src(%arg8 : memref<128x128xf32, #tpu.memory_space<vmem>>) dst(%dma_wait3A_42 : memref<128x128xf32, #tpu.memory_space<vmem_shared>>)
      tpu.yield
    }) : () -> ()
    %add3A_11 = arith.constant 384 : i32
    %add3A_12 = arith.addi %mul3A_5, %add3A_11 : i32
    "tpu.region"() ({
      %run_scoped3A = tpu.sem_alloc : memref<!tpu.dma_semaphore, #tpu.memory_space<semaphore_mem>>
      %dma_start3A = arith.constant 0 : i32
      %dma_start3A_37 = tpu.memref_slice %arg9[%add3A_12, %dma_start3A] : memref<10008x128xf32, #tpu.memory_space<vmem_shared>> -> memref<128x128xf32, #tpu.memory_space<vmem_shared>>
      %dma_start3A_38 = arith.constant 0 : i32
      %dma_start3A_39 = tpu.memref_slice %arg9[%add3A_12, %dma_start3A_38] : memref<10008x128xf32, #tpu.memory_space<vmem_shared>> -> memref<128x128xf32, #tpu.memory_space<vmem_shared>>
      tpu.enqueue_dma source(%arg8 : memref<128x128xf32, #tpu.memory_space<vmem>>) target(%dma_start3A_39 : memref<128x128xf32, #tpu.memory_space<vmem_shared>>) target_semaphore(%run_scoped3A : memref<!tpu.dma_semaphore, #tpu.memory_space<semaphore_mem>>)
      %dma_wait3A = arith.constant 0 : i32
      %dma_wait3A_40 = tpu.memref_slice %arg9[%add3A_12, %dma_wait3A] : memref<10008x128xf32, #tpu.memory_space<vmem_shared>> -> memref<128x128xf32, #tpu.memory_space<vmem_shared>>
      %dma_wait3A_41 = arith.constant 0 : i32
      %dma_wait3A_42 = tpu.memref_slice %arg9[%add3A_12, %dma_wait3A_41] : memref<10008x128xf32, #tpu.memory_space<vmem_shared>> -> memref<128x128xf32, #tpu.memory_space<vmem_shared>>
      tpu.wait_dma2 semaphore(%run_scoped3A : memref<!tpu.dma_semaphore, #tpu.memory_space<semaphore_mem>>) src(%arg8 : memref<128x128xf32, #tpu.memory_space<vmem>>) dst(%dma_wait3A_42 : memref<128x128xf32, #tpu.memory_space<vmem_shared>>)
      tpu.yield
    }) : () -> ()
    %add3A_13 = arith.constant 512 : i32
    %add3A_14 = arith.addi %mul3A_5, %add3A_13 : i32
    "tpu.region"() ({
      %run_scoped3A = tpu.sem_alloc : memref<!tpu.dma_semaphore, #tpu.memory_space<semaphore_mem>>
      %dma_start3A = arith.constant 0 : i32
      %dma_start3A_37 = arith.constant 0 : i32
      %dma_start3A_38 = tpu.memref_slice %arg8[%dma_start3A, %dma_start3A_37] : memref<128x128xf32, #tpu.memory_space<vmem>> -> memref<112x128xf32, #tpu.memory_space<vmem>>
      %dma_start3A_39 = arith.constant 0 : i32
      %dma_start3A_40 = tpu.memref_slice %arg9[%add3A_14, %dma_start3A_39] : memref<10008x128xf32, #tpu.memory_space<vmem_shared>> -> memref<112x128xf32, #tpu.memory_space<vmem_shared>>
      %dma_start3A_41 = arith.constant 0 : i32
      %dma_start3A_42 = tpu.memref_slice %arg9[%add3A_14, %dma_start3A_41] : memref<10008x128xf32, #tpu.memory_space<vmem_shared>> -> memref<112x128xf32, #tpu.memory_space<vmem_shared>>
      %dma_start3A_43 = arith.constant 0 : i32
      %dma_start3A_44 = arith.constant 0 : i32
      %dma_start3A_45 = tpu.memref_slice %arg8[%dma_start3A_43, %dma_start3A_44] : memref<128x128xf32, #tpu.memory_space<vmem>> -> memref<112x128xf32, #tpu.memory_space<vmem>>
      tpu.enqueue_dma source(%dma_start3A_45 : memref<112x128xf32, #tpu.memory_space<vmem>>) target(%dma_start3A_42 : memref<112x128xf32, #tpu.memory_space<vmem_shared>>) target_semaphore(%run_scoped3A : memref<!tpu.dma_semaphore, #tpu.memory_space<semaphore_mem>>)
      %dma_wait3A = arith.constant 0 : i32
      %dma_wait3A_46 = arith.constant 0 : i32
      %dma_wait3A_47 = tpu.memref_slice %arg8[%dma_wait3A, %dma_wait3A_46] : memref<128x128xf32, #tpu.memory_space<vmem>> -> memref<112x128xf32, #tpu.memory_space<vmem>>
      %dma_wait3A_48 = arith.constant 0 : i32
      %dma_wait3A_49 = tpu.memref_slice %arg9[%add3A_14, %dma_wait3A_48] : memref<10008x128xf32, #tpu.memory_space<vmem_shared>> -> memref<112x128xf32, #tpu.memory_space<vmem_shared>>
      %dma_wait3A_50 = arith.constant 0 : i32
      %dma_wait3A_51 = tpu.memref_slice %arg9[%add3A_14, %dma_wait3A_50] : memref<10008x128xf32, #tpu.memory_space<vmem_shared>> -> memref<112x128xf32, #tpu.memory_space<vmem_shared>>
      %dma_wait3A_52 = arith.constant 0 : i32
      %dma_wait3A_53 = arith.constant 0 : i32
      %dma_wait3A_54 = tpu.memref_slice %arg8[%dma_wait3A_52, %dma_wait3A_53] : memref<128x128xf32, #tpu.memory_space<vmem>> -> memref<112x128xf32, #tpu.memory_space<vmem>>
      tpu.wait_dma2 semaphore(%run_scoped3A : memref<!tpu.dma_semaphore, #tpu.memory_space<semaphore_mem>>) src(%dma_wait3A_54 : memref<112x128xf32, #tpu.memory_space<vmem>>) dst(%dma_wait3A_51 : memref<112x128xf32, #tpu.memory_space<vmem_shared>>)
      tpu.yield
    }) : () -> ()
    %eq3A = arith.constant 15 : i32
    %eq3A_15 = arith.cmpi eq, %arg1, %eq3A : i32
    %convert_element_type3A = arith.extui %eq3A_15 : i1 to i32
    %cond3A = arith.constant 0 : i32
    %cond3A_16 = arith.cmpi ne, %convert_element_type3A, %cond3A : i32
    scf.if %cond3A_16 {
      "tpu.region"() ({
        %run_scoped3A = tpu.sem_alloc : memref<!tpu.dma_semaphore, #tpu.memory_space<semaphore_mem>>
        %dma_start3A = arith.constant 0 : i32
        %dma_start3A_37 = arith.constant 0 : i32
        %dma_start3A_38 = tpu.memref_slice %arg8[%dma_start3A, %dma_start3A_37] : memref<128x128xf32, #tpu.memory_space<vmem>> -> memref<16x128xf32, #tpu.memory_space<vmem>>
        %dma_start3A_39 = arith.constant 9984 : i32
        %dma_start3A_40 = arith.constant 0 : i32
        %dma_start3A_41 = tpu.memref_slice %arg9[%dma_start3A_39, %dma_start3A_40] : memref<10008x128xf32, #tpu.memory_space<vmem_shared>> -> memref<16x128xf32, #tpu.memory_space<vmem_shared>>
        %dma_start3A_42 = arith.constant 9984 : i32
        %dma_start3A_43 = arith.constant 0 : i32
        %dma_start3A_44 = tpu.memref_slice %arg9[%dma_start3A_42, %dma_start3A_43] : memref<10008x128xf32, #tpu.memory_space<vmem_shared>> -> memref<16x128xf32, #tpu.memory_space<vmem_shared>>
        %dma_start3A_45 = arith.constant 0 : i32
        %dma_start3A_46 = arith.constant 0 : i32
        %dma_start3A_47 = tpu.memref_slice %arg8[%dma_start3A_45, %dma_start3A_46] : memref<128x128xf32, #tpu.memory_space<vmem>> -> memref<16x128xf32, #tpu.memory_space<vmem>>
        tpu.enqueue_dma source(%dma_start3A_47 : memref<16x128xf32, #tpu.memory_space<vmem>>) target(%dma_start3A_44 : memref<16x128xf32, #tpu.memory_space<vmem_shared>>) target_semaphore(%run_scoped3A : memref<!tpu.dma_semaphore, #tpu.memory_space<semaphore_mem>>)
        %dma_wait3A = arith.constant 0 : i32
        %dma_wait3A_48 = arith.constant 0 : i32
        %dma_wait3A_49 = tpu.memref_slice %arg8[%dma_wait3A, %dma_wait3A_48] : memref<128x128xf32, #tpu.memory_space<vmem>> -> memref<16x128xf32, #tpu.memory_space<vmem>>
        %dma_wait3A_50 = arith.constant 9984 : i32
        %dma_wait3A_51 = arith.constant 0 : i32
        %dma_wait3A_52 = tpu.memref_slice %arg9[%dma_wait3A_50, %dma_wait3A_51] : memref<10008x128xf32, #tpu.memory_space<vmem_shared>> -> memref<16x128xf32, #tpu.memory_space<vmem_shared>>
        %dma_wait3A_53 = arith.constant 9984 : i32
        %dma_wait3A_54 = arith.constant 0 : i32
        %dma_wait3A_55 = tpu.memref_slice %arg9[%dma_wait3A_53, %dma_wait3A_54] : memref<10008x128xf32, #tpu.memory_space<vmem_shared>> -> memref<16x128xf32, #tpu.memory_space<vmem_shared>>
        %dma_wait3A_56 = arith.constant 0 : i32
        %dma_wait3A_57 = arith.constant 0 : i32
        %dma_wait3A_58 = tpu.memref_slice %arg8[%dma_wait3A_56, %dma_wait3A_57] : memref<128x128xf32, #tpu.memory_space<vmem>> -> memref<16x128xf32, #tpu.memory_space<vmem>>
        tpu.wait_dma2 semaphore(%run_scoped3A : memref<!tpu.dma_semaphore, #tpu.memory_space<semaphore_mem>>) src(%dma_wait3A_58 : memref<16x128xf32, #tpu.memory_space<vmem>>) dst(%dma_wait3A_55 : memref<16x128xf32, #tpu.memory_space<vmem_shared>>)
        tpu.yield
      }) : () -> ()
    } else {
    }
    %barrier3A = arith.constant 0 : index
    tpu.barrier barrier_id(%barrier3A)
    %mul3A_17 = arith.constant 10240 : i32
    %mul3A_18 = arith.muli %arg1, %mul3A_17 : i32
    %mul3A_19 = arith.constant 163840 : i32
    %mul3A_20 = arith.muli %arg0, %mul3A_19 : i32
    %add3A_21 = arith.addi %mul3A_20, %mul3A_18 : i32
    %scan3A_22 = arith.constant 0 : i32
    %scan3A_23 = arith.constant 0 : i32
    %scan3A_24 = arith.constant 80 : i32
    %scan3A_25 = arith.addi %scan3A_23, %scan3A_24 : i32
    %scan3A_26 = arith.constant 1 : i32
    scf.for %scan3A_37 = %scan3A_23 to %scan3A_25 step %scan3A_26  : i32 {
      %mul3A_38 = arith.constant 128 : i32
      %mul3A_39 = arith.muli %scan3A_37, %mul3A_38 : i32
      %add3A_40 = arith.addi %add3A_21, %mul3A_39 : i32
      "tpu.region"() ({
        %run_scoped3A = tpu.sem_alloc : memref<!tpu.dma_semaphore, #tpu.memory_space<semaphore_mem>>
        %dma_start3A_46 = tpu.memref_slice %arg3[%add3A_40] : memref<327680xi32, #tpu.memory_space<hbm>> -> memref<128xi32, #tpu.memory_space<hbm>>
        %dma_start3A_47 = tpu.memref_slice %arg3[%add3A_40] : memref<327680xi32, #tpu.memory_space<hbm>> -> memref<128xi32, #tpu.memory_space<hbm>>
        tpu.enqueue_dma source(%dma_start3A_47 : memref<128xi32, #tpu.memory_space<hbm>>) target(%arg6 : memref<128xi32, #tpu.memory_space<vmem>>) target_semaphore(%run_scoped3A : memref<!tpu.dma_semaphore, #tpu.memory_space<semaphore_mem>>)
        %dma_wait3A_48 = tpu.memref_slice %arg3[%add3A_40] : memref<327680xi32, #tpu.memory_space<hbm>> -> memref<128xi32, #tpu.memory_space<hbm>>
        %dma_wait3A_49 = tpu.memref_slice %arg3[%add3A_40] : memref<327680xi32, #tpu.memory_space<hbm>> -> memref<128xi32, #tpu.memory_space<hbm>>
        tpu.wait_dma2 semaphore(%run_scoped3A : memref<!tpu.dma_semaphore, #tpu.memory_space<semaphore_mem>>) src(%dma_wait3A_49 : memref<128xi32, #tpu.memory_space<hbm>>) dst(%arg6 : memref<128xi32, #tpu.memory_space<vmem>>)
        tpu.yield
      }) : () -> ()
      %add3A_41 = arith.addi %mul3A_18, %mul3A_39 : i32
      "tpu.region"() ({
        %run_scoped3A = tpu.sem_alloc : memref<!tpu.dma_semaphore, #tpu.memory_space<semaphore_mem>>
        %dma_start3A_46 = tpu.memref_slice %arg4[%add3A_41] : memref<163840xi32, #tpu.memory_space<hbm>> -> memref<128xi32, #tpu.memory_space<hbm>>
        %dma_start3A_47 = tpu.memref_slice %arg4[%add3A_41] : memref<163840xi32, #tpu.memory_space<hbm>> -> memref<128xi32, #tpu.memory_space<hbm>>
        tpu.enqueue_dma source(%dma_start3A_47 : memref<128xi32, #tpu.memory_space<hbm>>) target(%arg7 : memref<128xi32, #tpu.memory_space<vmem>>) target_semaphore(%run_scoped3A : memref<!tpu.dma_semaphore, #tpu.memory_space<semaphore_mem>>)
        %dma_wait3A_48 = tpu.memref_slice %arg4[%add3A_41] : memref<163840xi32, #tpu.memory_space<hbm>> -> memref<128xi32, #tpu.memory_space<hbm>>
        %dma_wait3A_49 = tpu.memref_slice %arg4[%add3A_41] : memref<163840xi32, #tpu.memory_space<hbm>> -> memref<128xi32, #tpu.memory_space<hbm>>
        tpu.wait_dma2 semaphore(%run_scoped3A : memref<!tpu.dma_semaphore, #tpu.memory_space<semaphore_mem>>) src(%dma_wait3A_49 : memref<128xi32, #tpu.memory_space<hbm>>) dst(%arg7 : memref<128xi32, #tpu.memory_space<vmem>>)
        tpu.yield
      }) : () -> ()
      %dma_start3A = arith.constant 0 : i32
      %dma_start3A_42 = arith.constant 0 : i32
      %dma_start3A_43 = tpu.memref_slice %arg2[%dma_start3A, %dma_start3A_42] : memref<20000x128xf32, #tpu.memory_space<hbm>> -> memref<20000x128xf32, #tpu.memory_space<hbm>>
      tpu.enqueue_indirect_dma source(%dma_start3A_43 : memref<20000x128xf32, #tpu.memory_space<hbm>>) target(%arg8 : memref<128x128xf32, #tpu.memory_space<vmem>>) offsets(%arg6 : memref<128xi32, #tpu.memory_space<vmem>>) semaphore(%arg10 : memref<!tpu.dma_semaphore, #tpu.memory_space<semaphore_mem>>)
      %dma_wait3A = arith.constant 0 : i32
      %dma_wait3A_44 = arith.constant 0 : i32
      %dma_wait3A_45 = tpu.memref_slice %arg2[%dma_wait3A, %dma_wait3A_44] : memref<20000x128xf32, #tpu.memory_space<hbm>> -> memref<20000x128xf32, #tpu.memory_space<hbm>>
      tpu.wait_indirect_dma semaphore(%arg10 : memref<!tpu.dma_semaphore, #tpu.memory_space<semaphore_mem>>) src(%dma_wait3A_45 : memref<20000x128xf32, #tpu.memory_space<hbm>>) dst(%arg8 : memref<128x128xf32, #tpu.memory_space<vmem>>)
      "tpu.region"() ({
        %run_scoped3A = tpu.sem_alloc : memref<!tpu.dma_semaphore, #tpu.memory_space<semaphore_mem>>
        %dma_start3A_46 = arith.constant 0 : i32
        %dma_start3A_47 = arith.constant 0 : i32
        %dma_start3A_48 = tpu.memref_slice %arg9[%dma_start3A_46, %dma_start3A_47] : memref<10008x128xf32, #tpu.memory_space<vmem_shared>> -> memref<10008x128xf32, #tpu.memory_space<vmem_shared>>
        tpu.enqueue_indirect_dma source(%arg8 : memref<128x128xf32, #tpu.memory_space<vmem>>) target(%dma_start3A_48 : memref<10008x128xf32, #tpu.memory_space<vmem_shared>>) offsets(%arg7 : memref<128xi32, #tpu.memory_space<vmem>>) semaphore(%run_scoped3A : memref<!tpu.dma_semaphore, #tpu.memory_space<semaphore_mem>>) {add = true}
        %dma_wait3A_49 = arith.constant 0 : i32
        %dma_wait3A_50 = arith.constant 0 : i32
        %dma_wait3A_51 = tpu.memref_slice %arg9[%dma_wait3A_49, %dma_wait3A_50] : memref<10008x128xf32, #tpu.memory_space<vmem_shared>> -> memref<10008x128xf32, #tpu.memory_space<vmem_shared>>
        tpu.wait_indirect_dma semaphore(%run_scoped3A : memref<!tpu.dma_semaphore, #tpu.memory_space<semaphore_mem>>) src(%arg8 : memref<128x128xf32, #tpu.memory_space<vmem>>) dst(%dma_wait3A_51 : memref<10008x128xf32, #tpu.memory_space<vmem_shared>>)
        tpu.yield
      }) : () -> ()
    }
    %scan3A_27 = arith.constant 80 : i32
    %barrier3A_28 = arith.constant 0 : index
    tpu.barrier barrier_id(%barrier3A_28)
    %mul3A_29 = arith.constant 10000 : i32
    %mul3A_30 = arith.muli %arg0, %mul3A_29 : i32
    %add3A_31 = arith.addi %mul3A_30, %mul3A_5 : i32
    "tpu.region"() ({
      %run_scoped3A = tpu.sem_alloc : memref<!tpu.dma_semaphore, #tpu.memory_space<semaphore_mem>>
      %dma_start3A = arith.constant 0 : i32
      %dma_start3A_37 = tpu.memref_slice %arg5[%add3A_31, %dma_start3A] : memref<20000x128xf32, #tpu.memory_space<hbm>> -> memref<624x128xf32, #tpu.memory_space<hbm>>
      %dma_start3A_38 = arith.constant 0 : i32
      %dma_start3A_39 = tpu.memref_slice %arg9[%mul3A_5, %dma_start3A_38] : memref<10008x128xf32, #tpu.memory_space<vmem_shared>> -> memref<624x128xf32, #tpu.memory_space<vmem_shared>>
      tpu.enqueue_dma source(%dma_start3A_39 : memref<624x128xf32, #tpu.memory_space<vmem_shared>>) target(%dma_start3A_37 : memref<624x128xf32, #tpu.memory_space<hbm>>) target_semaphore(%run_scoped3A : memref<!tpu.dma_semaphore, #tpu.memory_space<semaphore_mem>>)
      %dma_wait3A = arith.constant 0 : i32
      %dma_wait3A_40 = tpu.memref_slice %arg5[%add3A_31, %dma_wait3A] : memref<20000x128xf32, #tpu.memory_space<hbm>> -> memref<624x128xf32, #tpu.memory_space<hbm>>
      %dma_wait3A_41 = arith.constant 0 : i32
      %dma_wait3A_42 = tpu.memref_slice %arg9[%mul3A_5, %dma_wait3A_41] : memref<10008x128xf32, #tpu.memory_space<vmem_shared>> -> memref<624x128xf32, #tpu.memory_space<vmem_shared>>
      tpu.wait_dma2 semaphore(%run_scoped3A : memref<!tpu.dma_semaphore, #tpu.memory_space<semaphore_mem>>) src(%dma_wait3A_42 : memref<624x128xf32, #tpu.memory_space<vmem_shared>>) dst(%dma_wait3A_40 : memref<624x128xf32, #tpu.memory_space<hbm>>)
      tpu.yield
    }) : () -> ()
    %eq3A_32 = arith.constant 15 : i32
    %eq3A_33 = arith.cmpi eq, %arg1, %eq3A_32 : i32
    %convert_element_type3A_34 = arith.extui %eq3A_33 : i1 to i32
    %cond3A_35 = arith.constant 0 : i32
    %cond3A_36 = arith.cmpi ne, %convert_element_type3A_34, %cond3A_35 : i32
    scf.if %cond3A_36 {
      %mul3A_37 = arith.constant 10000 : i32
      %mul3A_38 = arith.muli %arg0, %mul3A_37 : i32
      %add3A_39 = arith.constant 9984 : i32
      %add3A_40 = arith.addi %mul3A_38, %add3A_39 : i32
      "tpu.region"() ({
        %run_scoped3A = tpu.sem_alloc : memref<!tpu.dma_semaphore, #tpu.memory_space<semaphore_mem>>
        %dma_start3A = arith.constant 0 : i32
        %dma_start3A_41 = tpu.memref_slice %arg5[%add3A_40, %dma_start3A] : memref<20000x128xf32, #tpu.memory_space<hbm>> -> memref<16x128xf32, #tpu.memory_space<hbm>>
        %dma_start3A_42 = arith.constant 9984 : i32
        %dma_start3A_43 = arith.constant 0 : i32
        %dma_start3A_44 = tpu.memref_slice %arg9[%dma_start3A_42, %dma_start3A_43] : memref<10008x128xf32, #tpu.memory_space<vmem_shared>> -> memref<16x128xf32, #tpu.memory_space<vmem_shared>>
        tpu.enqueue_dma source(%dma_start3A_44 : memref<16x128xf32, #tpu.memory_space<vmem_shared>>) target(%dma_start3A_41 : memref<16x128xf32, #tpu.memory_space<hbm>>) target_semaphore(%run_scoped3A : memref<!tpu.dma_semaphore, #tpu.memory_space<semaphore_mem>>)
        %dma_wait3A = arith.constant 0 : i32
        %dma_wait3A_45 = tpu.memref_slice %arg5[%add3A_40, %dma_wait3A] : memref<20000x128xf32, #tpu.memory_space<hbm>> -> memref<16x128xf32, #tpu.memory_space<hbm>>
        %dma_wait3A_46 = arith.constant 9984 : i32
        %dma_wait3A_47 = arith.constant 0 : i32
        %dma_wait3A_48 = tpu.memref_slice %arg9[%dma_wait3A_46, %dma_wait3A_47] : memref<10008x128xf32, #tpu.memory_space<vmem_shared>> -> memref<16x128xf32, #tpu.memory_space<vmem_shared>>
        tpu.wait_dma2 semaphore(%run_scoped3A : memref<!tpu.dma_semaphore, #tpu.memory_space<semaphore_mem>>) src(%dma_wait3A_48 : memref<16x128xf32, #tpu.memory_space<vmem_shared>>) dst(%dma_wait3A_45 : memref<16x128xf32, #tpu.memory_space<hbm>>)
        tpu.yield
      }) : () -> ()
    } else {
    }
    return
  }
}

#map = affine_map<(d0, d1) -> (0, 0)>
#map1 = affine_map<(d0, d1) -> (0)>
module attributes {stable_mosaic.version = 14 : i64} {
  func.func @_segsum_body(%arg0: i32, %arg1: i32, %arg2: memref<20000x128xf32, #tpu.memory_space<hbm>>, %arg3: memref<327680xi32, #tpu.memory_space<hbm>>, %arg4: memref<163840xi32, #tpu.memory_space<hbm>>, %arg5: memref<20000x128xf32, #tpu.memory_space<hbm>>, %arg6: memref<128xi32, #tpu.memory_space<vmem>>, %arg7: memref<128xi32, #tpu.memory_space<vmem>>, %arg8: memref<128x128xf32, #tpu.memory_space<vmem>>, %arg9: memref<10008x128xf32, #tpu.memory_space<vmem_shared>>, %arg10: memref<!tpu.dma_semaphore, #tpu.memory_space<semaphore_mem>>) attributes {dimension_semantics = [#tpu.dimension_semantics<core_parallel>, #tpu.dimension_semantics<subcore_parallel>], iteration_bounds = array<i64: 2, 16>, scalar_prefetch = 0 : i64, scratch_operands = 5 : i64, tpu.core_type = #tpu.core_type<sc_vector_subcore>, window_params = [{transform_indices = #map}, {transform_indices = #map1}, {transform_indices = #map1}, {transform_indices = #map}]} {
    %scan3A = arith.constant 0 : i32
    %scan3A_0 = arith.constant 0 : i32
    %scan3A_1 = arith.constant 128 : i32
    %scan3A_2 = arith.addi %scan3A_0, %scan3A_1 : i32
    %scan3A_3 = arith.constant 1 : i32
    scf.for %scan3A_37 = %scan3A_0 to %scan3A_2 step %scan3A_3  : i32 {
      %broadcast_in_dim3A = arith.constant 0.000000e+00 : f32
      %broadcast_in_dim3A_38 = vector.broadcast %broadcast_in_dim3A : f32 to vector<16xf32>
      %swap3A = arith.index_cast %scan3A_37 : i32 to index
      %swap3A_39 = arith.constant 0 : index
      %swap3A_40 = tpu.vector_load %arg8[%swap3A, %swap3A_39] {strides = array<i32>} : memref<128x128xf32, #tpu.memory_space<vmem>>, vector<1x16xf32>,
      %swap3A_41 = vector.shape_cast %swap3A_40 : vector<1x16xf32> to vector<16xf32>
      %swap3A_42 = vector.shape_cast %broadcast_in_dim3A_38 : vector<16xf32> to vector<1x16xf32>
      tpu.vector_store %arg8[%swap3A, %swap3A_39], %swap3A_42 {strides = array<i32>} : memref<128x128xf32, #tpu.memory_space<vmem>>, vector<1x16xf32>,
      %broadcast_in_dim3A_43 = arith.constant 0.000000e+00 : f32
      %broadcast_in_dim3A_44 = vector.broadcast %broadcast_in_dim3A_43 : f32 to vector<16xf32>
      %swap3A_45 = arith.index_cast %scan3A_37 : i32 to index
      %swap3A_46 = arith.constant 16 : index
      %swap3A_47 = tpu.vector_load %arg8[%swap3A_45, %swap3A_46] {strides = array<i32>} : memref<128x128xf32, #tpu.memory_space<vmem>>, vector<1x16xf32>,
      %swap3A_48 = vector.shape_cast %swap3A_47 : vector<1x16xf32> to vector<16xf32>
      %swap3A_49 = vector.shape_cast %broadcast_in_dim3A_44 : vector<16xf32> to vector<1x16xf32>
      tpu.vector_store %arg8[%swap3A_45, %swap3A_46], %swap3A_49 {strides = array<i32>} : memref<128x128xf32, #tpu.memory_space<vmem>>, vector<1x16xf32>,
      %broadcast_in_dim3A_50 = arith.constant 0.000000e+00 : f32
      %broadcast_in_dim3A_51 = vector.broadcast %broadcast_in_dim3A_50 : f32 to vector<16xf32>
      %swap3A_52 = arith.index_cast %scan3A_37 : i32 to index
      %swap3A_53 = arith.constant 32 : index
      %swap3A_54 = tpu.vector_load %arg8[%swap3A_52, %swap3A_53] {strides = array<i32>} : memref<128x128xf32, #tpu.memory_space<vmem>>, vector<1x16xf32>,
      %swap3A_55 = vector.shape_cast %swap3A_54 : vector<1x16xf32> to vector<16xf32>
      %swap3A_56 = vector.shape_cast %broadcast_in_dim3A_51 : vector<16xf32> to vector<1x16xf32>
      tpu.vector_store %arg8[%swap3A_52, %swap3A_53], %swap3A_56 {strides = array<i32>} : memref<128x128xf32, #tpu.memory_space<vmem>>, vector<1x16xf32>,
      %broadcast_in_dim3A_57 = arith.constant 0.000000e+00 : f32
      %broadcast_in_dim3A_58 = vector.broadcast %broadcast_in_dim3A_57 : f32 to vector<16xf32>
      %swap3A_59 = arith.index_cast %scan3A_37 : i32 to index
      %swap3A_60 = arith.constant 48 : index
      %swap3A_61 = tpu.vector_load %arg8[%swap3A_59, %swap3A_60] {strides = array<i32>} : memref<128x128xf32, #tpu.memory_space<vmem>>, vector<1x16xf32>,
      %swap3A_62 = vector.shape_cast %swap3A_61 : vector<1x16xf32> to vector<16xf32>
      %swap3A_63 = vector.shape_cast %broadcast_in_dim3A_58 : vector<16xf32> to vector<1x16xf32>
      tpu.vector_store %arg8[%swap3A_59, %swap3A_60], %swap3A_63 {strides = array<i32>} : memref<128x128xf32, #tpu.memory_space<vmem>>, vector<1x16xf32>,
      %broadcast_in_dim3A_64 = arith.constant 0.000000e+00 : f32
      %broadcast_in_dim3A_65 = vector.broadcast %broadcast_in_dim3A_64 : f32 to vector<16xf32>
      %swap3A_66 = arith.index_cast %scan3A_37 : i32 to index
      %swap3A_67 = arith.constant 64 : index
      %swap3A_68 = tpu.vector_load %arg8[%swap3A_66, %swap3A_67] {strides = array<i32>} : memref<128x128xf32, #tpu.memory_space<vmem>>, vector<1x16xf32>,
      %swap3A_69 = vector.shape_cast %swap3A_68 : vector<1x16xf32> to vector<16xf32>
      %swap3A_70 = vector.shape_cast %broadcast_in_dim3A_65 : vector<16xf32> to vector<1x16xf32>
      tpu.vector_store %arg8[%swap3A_66, %swap3A_67], %swap3A_70 {strides = array<i32>} : memref<128x128xf32, #tpu.memory_space<vmem>>, vector<1x16xf32>,
      %broadcast_in_dim3A_71 = arith.constant 0.000000e+00 : f32
      %broadcast_in_dim3A_72 = vector.broadcast %broadcast_in_dim3A_71 : f32 to vector<16xf32>
      %swap3A_73 = arith.index_cast %scan3A_37 : i32 to index
      %swap3A_74 = arith.constant 80 : index
      %swap3A_75 = tpu.vector_load %arg8[%swap3A_73, %swap3A_74] {strides = array<i32>} : memref<128x128xf32, #tpu.memory_space<vmem>>, vector<1x16xf32>,
      %swap3A_76 = vector.shape_cast %swap3A_75 : vector<1x16xf32> to vector<16xf32>
      %swap3A_77 = vector.shape_cast %broadcast_in_dim3A_72 : vector<16xf32> to vector<1x16xf32>
      tpu.vector_store %arg8[%swap3A_73, %swap3A_74], %swap3A_77 {strides = array<i32>} : memref<128x128xf32, #tpu.memory_space<vmem>>, vector<1x16xf32>,
      %broadcast_in_dim3A_78 = arith.constant 0.000000e+00 : f32
      %broadcast_in_dim3A_79 = vector.broadcast %broadcast_in_dim3A_78 : f32 to vector<16xf32>
      %swap3A_80 = arith.index_cast %scan3A_37 : i32 to index
      %swap3A_81 = arith.constant 96 : index
      %swap3A_82 = tpu.vector_load %arg8[%swap3A_80, %swap3A_81] {strides = array<i32>} : memref<128x128xf32, #tpu.memory_space<vmem>>, vector<1x16xf32>,
      %swap3A_83 = vector.shape_cast %swap3A_82 : vector<1x16xf32> to vector<16xf32>
      %swap3A_84 = vector.shape_cast %broadcast_in_dim3A_79 : vector<16xf32> to vector<1x16xf32>
      tpu.vector_store %arg8[%swap3A_80, %swap3A_81], %swap3A_84 {strides = array<i32>} : memref<128x128xf32, #tpu.memory_space<vmem>>, vector<1x16xf32>,
      %broadcast_in_dim3A_85 = arith.constant 0.000000e+00 : f32
      %broadcast_in_dim3A_86 = vector.broadcast %broadcast_in_dim3A_85 : f32 to vector<16xf32>
      %swap3A_87 = arith.index_cast %scan3A_37 : i32 to index
      %swap3A_88 = arith.constant 112 : index
      %swap3A_89 = tpu.vector_load %arg8[%swap3A_87, %swap3A_88] {strides = array<i32>} : memref<128x128xf32, #tpu.memory_space<vmem>>, vector<1x16xf32>,
      %swap3A_90 = vector.shape_cast %swap3A_89 : vector<1x16xf32> to vector<16xf32>
      %swap3A_91 = vector.shape_cast %broadcast_in_dim3A_86 : vector<16xf32> to vector<1x16xf32>
      tpu.vector_store %arg8[%swap3A_87, %swap3A_88], %swap3A_91 {strides = array<i32>} : memref<128x128xf32, #tpu.memory_space<vmem>>, vector<1x16xf32>,
    }
    %scan3A_4 = arith.constant 128 : i32
    %mul3A = arith.constant 624 : i32
    %mul3A_5 = arith.muli %arg1, %mul3A : i32
    %add3A = arith.constant 0 : i32
    %add3A_6 = arith.addi %mul3A_5, %add3A : i32
    "tpu.region"() ({
      %run_scoped3A = tpu.sem_alloc : memref<!tpu.dma_semaphore, #tpu.memory_space<semaphore_mem>>
      %dma_start3A = arith.constant 0 : i32
      %dma_start3A_37 = tpu.memref_slice %arg9[%add3A_6, %dma_start3A] : memref<10008x128xf32, #tpu.memory_space<vmem_shared>> -> memref<128x128xf32, #tpu.memory_space<vmem_shared>>
      %dma_start3A_38 = arith.constant 0 : i32
      %dma_start3A_39 = tpu.memref_slice %arg9[%add3A_6, %dma_start3A_38] : memref<10008x128xf32, #tpu.memory_space<vmem_shared>> -> memref<128x128xf32, #tpu.memory_space<vmem_shared>>
      tpu.enqueue_dma source(%arg8 : memref<128x128xf32, #tpu.memory_space<vmem>>) target(%dma_start3A_39 : memref<128x128xf32, #tpu.memory_space<vmem_shared>>) target_semaphore(%run_scoped3A : memref<!tpu.dma_semaphore, #tpu.memory_space<semaphore_mem>>)
      %dma_wait3A = arith.constant 0 : i32
      %dma_wait3A_40 = tpu.memref_slice %arg9[%add3A_6, %dma_wait3A] : memref<10008x128xf32, #tpu.memory_space<vmem_shared>> -> memref<128x128xf32, #tpu.memory_space<vmem_shared>>
      %dma_wait3A_41 = arith.constant 0 : i32
      %dma_wait3A_42 = tpu.memref_slice %arg9[%add3A_6, %dma_wait3A_41] : memref<10008x128xf32, #tpu.memory_space<vmem_shared>> -> memref<128x128xf32, #tpu.memory_space<vmem_shared>>
      tpu.wait_dma2 semaphore(%run_scoped3A : memref<!tpu.dma_semaphore, #tpu.memory_space<semaphore_mem>>) src(%arg8 : memref<128x128xf32, #tpu.memory_space<vmem>>) dst(%dma_wait3A_42 : memref<128x128xf32, #tpu.memory_space<vmem_shared>>)
      tpu.yield
    }) : () -> ()
    %add3A_7 = arith.constant 128 : i32
    %add3A_8 = arith.addi %mul3A_5, %add3A_7 : i32
    "tpu.region"() ({
      %run_scoped3A = tpu.sem_alloc : memref<!tpu.dma_semaphore, #tpu.memory_space<semaphore_mem>>
      %dma_start3A = arith.constant 0 : i32
      %dma_start3A_37 = tpu.memref_slice %arg9[%add3A_8, %dma_start3A] : memref<10008x128xf32, #tpu.memory_space<vmem_shared>> -> memref<128x128xf32, #tpu.memory_space<vmem_shared>>
      %dma_start3A_38 = arith.constant 0 : i32
      %dma_start3A_39 = tpu.memref_slice %arg9[%add3A_8, %dma_start3A_38] : memref<10008x128xf32, #tpu.memory_space<vmem_shared>> -> memref<128x128xf32, #tpu.memory_space<vmem_shared>>
      tpu.enqueue_dma source(%arg8 : memref<128x128xf32, #tpu.memory_space<vmem>>) target(%dma_start3A_39 : memref<128x128xf32, #tpu.memory_space<vmem_shared>>) target_semaphore(%run_scoped3A : memref<!tpu.dma_semaphore, #tpu.memory_space<semaphore_mem>>)
      %dma_wait3A = arith.constant 0 : i32
      %dma_wait3A_40 = tpu.memref_slice %arg9[%add3A_8, %dma_wait3A] : memref<10008x128xf32, #tpu.memory_space<vmem_shared>> -> memref<128x128xf32, #tpu.memory_space<vmem_shared>>
      %dma_wait3A_41 = arith.constant 0 : i32
      %dma_wait3A_42 = tpu.memref_slice %arg9[%add3A_8, %dma_wait3A_41] : memref<10008x128xf32, #tpu.memory_space<vmem_shared>> -> memref<128x128xf32, #tpu.memory_space<vmem_shared>>
      tpu.wait_dma2 semaphore(%run_scoped3A : memref<!tpu.dma_semaphore, #tpu.memory_space<semaphore_mem>>) src(%arg8 : memref<128x128xf32, #tpu.memory_space<vmem>>) dst(%dma_wait3A_42 : memref<128x128xf32, #tpu.memory_space<vmem_shared>>)
      tpu.yield
    }) : () -> ()
    %add3A_9 = arith.constant 256 : i32
    %add3A_10 = arith.addi %mul3A_5, %add3A_9 : i32
    "tpu.region"() ({
      %run_scoped3A = tpu.sem_alloc : memref<!tpu.dma_semaphore, #tpu.memory_space<semaphore_mem>>
      %dma_start3A = arith.constant 0 : i32
      %dma_start3A_37 = tpu.memref_slice %arg9[%add3A_10, %dma_start3A] : memref<10008x128xf32, #tpu.memory_space<vmem_shared>> -> memref<128x128xf32, #tpu.memory_space<vmem_shared>>
      %dma_start3A_38 = arith.constant 0 : i32
      %dma_start3A_39 = tpu.memref_slice %arg9[%add3A_10, %dma_start3A_38] : memref<10008x128xf32, #tpu.memory_space<vmem_shared>> -> memref<128x128xf32, #tpu.memory_space<vmem_shared>>
      tpu.enqueue_dma source(%arg8 : memref<128x128xf32, #tpu.memory_space<vmem>>) target(%dma_start3A_39 : memref<128x128xf32, #tpu.memory_space<vmem_shared>>) target_semaphore(%run_scoped3A : memref<!tpu.dma_semaphore, #tpu.memory_space<semaphore_mem>>)
      %dma_wait3A = arith.constant 0 : i32
      %dma_wait3A_40 = tpu.memref_slice %arg9[%add3A_10, %dma_wait3A] : memref<10008x128xf32, #tpu.memory_space<vmem_shared>> -> memref<128x128xf32, #tpu.memory_space<vmem_shared>>
      %dma_wait3A_41 = arith.constant 0 : i32
      %dma_wait3A_42 = tpu.memref_slice %arg9[%add3A_10, %dma_wait3A_41] : memref<10008x128xf32, #tpu.memory_space<vmem_shared>> -> memref<128x128xf32, #tpu.memory_space<vmem_shared>>
      tpu.wait_dma2 semaphore(%run_scoped3A : memref<!tpu.dma_semaphore, #tpu.memory_space<semaphore_mem>>) src(%arg8 : memref<128x128xf32, #tpu.memory_space<vmem>>) dst(%dma_wait3A_42 : memref<128x128xf32, #tpu.memory_space<vmem_shared>>)
      tpu.yield
    }) : () -> ()
    %add3A_11 = arith.constant 384 : i32
    %add3A_12 = arith.addi %mul3A_5, %add3A_11 : i32
    "tpu.region"() ({
      %run_scoped3A = tpu.sem_alloc : memref<!tpu.dma_semaphore, #tpu.memory_space<semaphore_mem>>
      %dma_start3A = arith.constant 0 : i32
      %dma_start3A_37 = tpu.memref_slice %arg9[%add3A_12, %dma_start3A] : memref<10008x128xf32, #tpu.memory_space<vmem_shared>> -> memref<128x128xf32, #tpu.memory_space<vmem_shared>>
      %dma_start3A_38 = arith.constant 0 : i32
      %dma_start3A_39 = tpu.memref_slice %arg9[%add3A_12, %dma_start3A_38] : memref<10008x128xf32, #tpu.memory_space<vmem_shared>> -> memref<128x128xf32, #tpu.memory_space<vmem_shared>>
      tpu.enqueue_dma source(%arg8 : memref<128x128xf32, #tpu.memory_space<vmem>>) target(%dma_start3A_39 : memref<128x128xf32, #tpu.memory_space<vmem_shared>>) target_semaphore(%run_scoped3A : memref<!tpu.dma_semaphore, #tpu.memory_space<semaphore_mem>>)
      %dma_wait3A = arith.constant 0 : i32
      %dma_wait3A_40 = tpu.memref_slice %arg9[%add3A_12, %dma_wait3A] : memref<10008x128xf32, #tpu.memory_space<vmem_shared>> -> memref<128x128xf32, #tpu.memory_space<vmem_shared>>
      %dma_wait3A_41 = arith.constant 0 : i32
      %dma_wait3A_42 = tpu.memref_slice %arg9[%add3A_12, %dma_wait3A_41] : memref<10008x128xf32, #tpu.memory_space<vmem_shared>> -> memref<128x128xf32, #tpu.memory_space<vmem_shared>>
      tpu.wait_dma2 semaphore(%run_scoped3A : memref<!tpu.dma_semaphore, #tpu.memory_space<semaphore_mem>>) src(%arg8 : memref<128x128xf32, #tpu.memory_space<vmem>>) dst(%dma_wait3A_42 : memref<128x128xf32, #tpu.memory_space<vmem_shared>>)
      tpu.yield
    }) : () -> ()
    %add3A_13 = arith.constant 512 : i32
    %add3A_14 = arith.addi %mul3A_5, %add3A_13 : i32
    "tpu.region"() ({
      %run_scoped3A = tpu.sem_alloc : memref<!tpu.dma_semaphore, #tpu.memory_space<semaphore_mem>>
      %dma_start3A = arith.constant 0 : i32
      %dma_start3A_37 = arith.constant 0 : i32
      %dma_start3A_38 = tpu.memref_slice %arg8[%dma_start3A, %dma_start3A_37] : memref<128x128xf32, #tpu.memory_space<vmem>> -> memref<112x128xf32, #tpu.memory_space<vmem>>
      %dma_start3A_39 = arith.constant 0 : i32
      %dma_start3A_40 = tpu.memref_slice %arg9[%add3A_14, %dma_start3A_39] : memref<10008x128xf32, #tpu.memory_space<vmem_shared>> -> memref<112x128xf32, #tpu.memory_space<vmem_shared>>
      %dma_start3A_41 = arith.constant 0 : i32
      %dma_start3A_42 = tpu.memref_slice %arg9[%add3A_14, %dma_start3A_41] : memref<10008x128xf32, #tpu.memory_space<vmem_shared>> -> memref<112x128xf32, #tpu.memory_space<vmem_shared>>
      %dma_start3A_43 = arith.constant 0 : i32
      %dma_start3A_44 = arith.constant 0 : i32
      %dma_start3A_45 = tpu.memref_slice %arg8[%dma_start3A_43, %dma_start3A_44] : memref<128x128xf32, #tpu.memory_space<vmem>> -> memref<112x128xf32, #tpu.memory_space<vmem>>
      tpu.enqueue_dma source(%dma_start3A_45 : memref<112x128xf32, #tpu.memory_space<vmem>>) target(%dma_start3A_42 : memref<112x128xf32, #tpu.memory_space<vmem_shared>>) target_semaphore(%run_scoped3A : memref<!tpu.dma_semaphore, #tpu.memory_space<semaphore_mem>>)
      %dma_wait3A = arith.constant 0 : i32
      %dma_wait3A_46 = arith.constant 0 : i32
      %dma_wait3A_47 = tpu.memref_slice %arg8[%dma_wait3A, %dma_wait3A_46] : memref<128x128xf32, #tpu.memory_space<vmem>> -> memref<112x128xf32, #tpu.memory_space<vmem>>
      %dma_wait3A_48 = arith.constant 0 : i32
      %dma_wait3A_49 = tpu.memref_slice %arg9[%add3A_14, %dma_wait3A_48] : memref<10008x128xf32, #tpu.memory_space<vmem_shared>> -> memref<112x128xf32, #tpu.memory_space<vmem_shared>>
      %dma_wait3A_50 = arith.constant 0 : i32
      %dma_wait3A_51 = tpu.memref_slice %arg9[%add3A_14, %dma_wait3A_50] : memref<10008x128xf32, #tpu.memory_space<vmem_shared>> -> memref<112x128xf32, #tpu.memory_space<vmem_shared>>
      %dma_wait3A_52 = arith.constant 0 : i32
      %dma_wait3A_53 = arith.constant 0 : i32
      %dma_wait3A_54 = tpu.memref_slice %arg8[%dma_wait3A_52, %dma_wait3A_53] : memref<128x128xf32, #tpu.memory_space<vmem>> -> memref<112x128xf32, #tpu.memory_space<vmem>>
      tpu.wait_dma2 semaphore(%run_scoped3A : memref<!tpu.dma_semaphore, #tpu.memory_space<semaphore_mem>>) src(%dma_wait3A_54 : memref<112x128xf32, #tpu.memory_space<vmem>>) dst(%dma_wait3A_51 : memref<112x128xf32, #tpu.memory_space<vmem_shared>>)
      tpu.yield
    }) : () -> ()
    %eq3A = arith.constant 15 : i32
    %eq3A_15 = arith.cmpi eq, %arg1, %eq3A : i32
    %convert_element_type3A = arith.extui %eq3A_15 : i1 to i32
    %cond3A = arith.constant 0 : i32
    %cond3A_16 = arith.cmpi ne, %convert_element_type3A, %cond3A : i32
    scf.if %cond3A_16 {
      "tpu.region"() ({
        %run_scoped3A = tpu.sem_alloc : memref<!tpu.dma_semaphore, #tpu.memory_space<semaphore_mem>>
        %dma_start3A = arith.constant 0 : i32
        %dma_start3A_37 = arith.constant 0 : i32
        %dma_start3A_38 = tpu.memref_slice %arg8[%dma_start3A, %dma_start3A_37] : memref<128x128xf32, #tpu.memory_space<vmem>> -> memref<16x128xf32, #tpu.memory_space<vmem>>
        %dma_start3A_39 = arith.constant 9984 : i32
        %dma_start3A_40 = arith.constant 0 : i32
        %dma_start3A_41 = tpu.memref_slice %arg9[%dma_start3A_39, %dma_start3A_40] : memref<10008x128xf32, #tpu.memory_space<vmem_shared>> -> memref<16x128xf32, #tpu.memory_space<vmem_shared>>
        %dma_start3A_42 = arith.constant 9984 : i32
        %dma_start3A_43 = arith.constant 0 : i32
        %dma_start3A_44 = tpu.memref_slice %arg9[%dma_start3A_42, %dma_start3A_43] : memref<10008x128xf32, #tpu.memory_space<vmem_shared>> -> memref<16x128xf32, #tpu.memory_space<vmem_shared>>
        %dma_start3A_45 = arith.constant 0 : i32
        %dma_start3A_46 = arith.constant 0 : i32
        %dma_start3A_47 = tpu.memref_slice %arg8[%dma_start3A_45, %dma_start3A_46] : memref<128x128xf32, #tpu.memory_space<vmem>> -> memref<16x128xf32, #tpu.memory_space<vmem>>
        tpu.enqueue_dma source(%dma_start3A_47 : memref<16x128xf32, #tpu.memory_space<vmem>>) target(%dma_start3A_44 : memref<16x128xf32, #tpu.memory_space<vmem_shared>>) target_semaphore(%run_scoped3A : memref<!tpu.dma_semaphore, #tpu.memory_space<semaphore_mem>>)
        %dma_wait3A = arith.constant 0 : i32
        %dma_wait3A_48 = arith.constant 0 : i32
        %dma_wait3A_49 = tpu.memref_slice %arg8[%dma_wait3A, %dma_wait3A_48] : memref<128x128xf32, #tpu.memory_space<vmem>> -> memref<16x128xf32, #tpu.memory_space<vmem>>
        %dma_wait3A_50 = arith.constant 9984 : i32
        %dma_wait3A_51 = arith.constant 0 : i32
        %dma_wait3A_52 = tpu.memref_slice %arg9[%dma_wait3A_50, %dma_wait3A_51] : memref<10008x128xf32, #tpu.memory_space<vmem_shared>> -> memref<16x128xf32, #tpu.memory_space<vmem_shared>>
        %dma_wait3A_53 = arith.constant 9984 : i32
        %dma_wait3A_54 = arith.constant 0 : i32
        %dma_wait3A_55 = tpu.memref_slice %arg9[%dma_wait3A_53, %dma_wait3A_54] : memref<10008x128xf32, #tpu.memory_space<vmem_shared>> -> memref<16x128xf32, #tpu.memory_space<vmem_shared>>
        %dma_wait3A_56 = arith.constant 0 : i32
        %dma_wait3A_57 = arith.constant 0 : i32
        %dma_wait3A_58 = tpu.memref_slice %arg8[%dma_wait3A_56, %dma_wait3A_57] : memref<128x128xf32, #tpu.memory_space<vmem>> -> memref<16x128xf32, #tpu.memory_space<vmem>>
        tpu.wait_dma2 semaphore(%run_scoped3A : memref<!tpu.dma_semaphore, #tpu.memory_space<semaphore_mem>>) src(%dma_wait3A_58 : memref<16x128xf32, #tpu.memory_space<vmem>>) dst(%dma_wait3A_55 : memref<16x128xf32, #tpu.memory_space<vmem_shared>>)
        tpu.yield
      }) : () -> ()
    } else {
    }
    %barrier3A = arith.constant 0 : index
    tpu.barrier barrier_id(%barrier3A)
    %mul3A_17 = arith.constant 10240 : i32
    %mul3A_18 = arith.muli %arg1, %mul3A_17 : i32
    %mul3A_19 = arith.constant 163840 : i32
    %mul3A_20 = arith.muli %arg0, %mul3A_19 : i32
    %add3A_21 = arith.addi %mul3A_20, %mul3A_18 : i32
    %scan3A_22 = arith.constant 0 : i32
    %scan3A_23 = arith.constant 0 : i32
    %scan3A_24 = arith.constant 80 : i32
    %scan3A_25 = arith.addi %scan3A_23, %scan3A_24 : i32
    %scan3A_26 = arith.constant 1 : i32
    scf.for %scan3A_37 = %scan3A_23 to %scan3A_25 step %scan3A_26  : i32 {
      %mul3A_38 = arith.constant 128 : i32
      %mul3A_39 = arith.muli %scan3A_37, %mul3A_38 : i32
      %add3A_40 = arith.addi %add3A_21, %mul3A_39 : i32
      "tpu.region"() ({
        %run_scoped3A = tpu.sem_alloc : memref<!tpu.dma_semaphore, #tpu.memory_space<semaphore_mem>>
        %dma_start3A_46 = tpu.memref_slice %arg3[%add3A_40] : memref<327680xi32, #tpu.memory_space<hbm>> -> memref<128xi32, #tpu.memory_space<hbm>>
        %dma_start3A_47 = tpu.memref_slice %arg3[%add3A_40] : memref<327680xi32, #tpu.memory_space<hbm>> -> memref<128xi32, #tpu.memory_space<hbm>>
        tpu.enqueue_dma source(%dma_start3A_47 : memref<128xi32, #tpu.memory_space<hbm>>) target(%arg6 : memref<128xi32, #tpu.memory_space<vmem>>) target_semaphore(%run_scoped3A : memref<!tpu.dma_semaphore, #tpu.memory_space<semaphore_mem>>)
        %dma_wait3A_48 = tpu.memref_slice %arg3[%add3A_40] : memref<327680xi32, #tpu.memory_space<hbm>> -> memref<128xi32, #tpu.memory_space<hbm>>
        %dma_wait3A_49 = tpu.memref_slice %arg3[%add3A_40] : memref<327680xi32, #tpu.memory_space<hbm>> -> memref<128xi32, #tpu.memory_space<hbm>>
        tpu.wait_dma2 semaphore(%run_scoped3A : memref<!tpu.dma_semaphore, #tpu.memory_space<semaphore_mem>>) src(%dma_wait3A_49 : memref<128xi32, #tpu.memory_space<hbm>>) dst(%arg6 : memref<128xi32, #tpu.memory_space<vmem>>)
        tpu.yield
      }) : () -> ()
      %add3A_41 = arith.addi %mul3A_18, %mul3A_39 : i32
      "tpu.region"() ({
        %run_scoped3A = tpu.sem_alloc : memref<!tpu.dma_semaphore, #tpu.memory_space<semaphore_mem>>
        %dma_start3A_46 = tpu.memref_slice %arg4[%add3A_41] : memref<163840xi32, #tpu.memory_space<hbm>> -> memref<128xi32, #tpu.memory_space<hbm>>
        %dma_start3A_47 = tpu.memref_slice %arg4[%add3A_41] : memref<163840xi32, #tpu.memory_space<hbm>> -> memref<128xi32, #tpu.memory_space<hbm>>
        tpu.enqueue_dma source(%dma_start3A_47 : memref<128xi32, #tpu.memory_space<hbm>>) target(%arg7 : memref<128xi32, #tpu.memory_space<vmem>>) target_semaphore(%run_scoped3A : memref<!tpu.dma_semaphore, #tpu.memory_space<semaphore_mem>>)
        %dma_wait3A_48 = tpu.memref_slice %arg4[%add3A_41] : memref<163840xi32, #tpu.memory_space<hbm>> -> memref<128xi32, #tpu.memory_space<hbm>>
        %dma_wait3A_49 = tpu.memref_slice %arg4[%add3A_41] : memref<163840xi32, #tpu.memory_space<hbm>> -> memref<128xi32, #tpu.memory_space<hbm>>
        tpu.wait_dma2 semaphore(%run_scoped3A : memref<!tpu.dma_semaphore, #tpu.memory_space<semaphore_mem>>) src(%dma_wait3A_49 : memref<128xi32, #tpu.memory_space<hbm>>) dst(%arg7 : memref<128xi32, #tpu.memory_space<vmem>>)
        tpu.yield
      }) : () -> ()
      %dma_start3A = arith.constant 0 : i32
      %dma_start3A_42 = arith.constant 0 : i32
      %dma_start3A_43 = tpu.memref_slice %arg2[%dma_start3A, %dma_start3A_42] : memref<20000x128xf32, #tpu.memory_space<hbm>> -> memref<20000x128xf32, #tpu.memory_space<hbm>>
      tpu.enqueue_indirect_dma source(%dma_start3A_43 : memref<20000x128xf32, #tpu.memory_space<hbm>>) target(%arg8 : memref<128x128xf32, #tpu.memory_space<vmem>>) offsets(%arg6 : memref<128xi32, #tpu.memory_space<vmem>>) semaphore(%arg10 : memref<!tpu.dma_semaphore, #tpu.memory_space<semaphore_mem>>)
      %dma_wait3A = arith.constant 0 : i32
      %dma_wait3A_44 = arith.constant 0 : i32
      %dma_wait3A_45 = tpu.memref_slice %arg2[%dma_wait3A, %dma_wait3A_44] : memref<20000x128xf32, #tpu.memory_space<hbm>> -> memref<20000x128xf32, #tpu.memory_space<hbm>>
      tpu.wait_indirect_dma semaphore(%arg10 : memref<!tpu.dma_semaphore, #tpu.memory_space<semaphore_mem>>) src(%dma_wait3A_45 : memref<20000x128xf32, #tpu.memory_space<hbm>>) dst(%arg8 : memref<128x128xf32, #tpu.memory_space<vmem>>)
      "tpu.region"() ({
        %run_scoped3A = tpu.sem_alloc : memref<!tpu.dma_semaphore, #tpu.memory_space<semaphore_mem>>
        %dma_start3A_46 = arith.constant 0 : i32
        %dma_start3A_47 = arith.constant 0 : i32
        %dma_start3A_48 = tpu.memref_slice %arg9[%dma_start3A_46, %dma_start3A_47] : memref<10008x128xf32, #tpu.memory_space<vmem_shared>> -> memref<10008x128xf32, #tpu.memory_space<vmem_shared>>
        tpu.enqueue_indirect_dma source(%arg8 : memref<128x128xf32, #tpu.memory_space<vmem>>) target(%dma_start3A_48 : memref<10008x128xf32, #tpu.memory_space<vmem_shared>>) offsets(%arg7 : memref<128xi32, #tpu.memory_space<vmem>>) semaphore(%run_scoped3A : memref<!tpu.dma_semaphore, #tpu.memory_space<semaphore_mem>>) {add = true}
        %dma_wait3A_49 = arith.constant 0 : i32
        %dma_wait3A_50 = arith.constant 0 : i32
        %dma_wait3A_51 = tpu.memref_slice %arg9[%dma_wait3A_49, %dma_wait3A_50] : memref<10008x128xf32, #tpu.memory_space<vmem_shared>> -> memref<10008x128xf32, #tpu.memory_space<vmem_shared>>
        tpu.wait_indirect_dma semaphore(%run_scoped3A : memref<!tpu.dma_semaphore, #tpu.memory_space<semaphore_mem>>) src(%arg8 : memref<128x128xf32, #tpu.memory_space<vmem>>) dst(%dma_wait3A_51 : memref<10008x128xf32, #tpu.memory_space<vmem_shared>>)
        tpu.yield
      }) : () -> ()
    }
    %scan3A_27 = arith.constant 80 : i32
    %barrier3A_28 = arith.constant 0 : index
    tpu.barrier barrier_id(%barrier3A_28)
    %mul3A_29 = arith.constant 10000 : i32
    %mul3A_30 = arith.muli %arg0, %mul3A_29 : i32
    %add3A_31 = arith.addi %mul3A_30, %mul3A_5 : i32
    "tpu.region"() ({
      %run_scoped3A = tpu.sem_alloc : memref<!tpu.dma_semaphore, #tpu.memory_space<semaphore_mem>>
      %dma_start3A = arith.constant 0 : i32
      %dma_start3A_37 = tpu.memref_slice %arg5[%add3A_31, %dma_start3A] : memref<20000x128xf32, #tpu.memory_space<hbm>> -> memref<624x128xf32, #tpu.memory_space<hbm>>
      %dma_start3A_38 = arith.constant 0 : i32
      %dma_start3A_39 = tpu.memref_slice %arg9[%mul3A_5, %dma_start3A_38] : memref<10008x128xf32, #tpu.memory_space<vmem_shared>> -> memref<624x128xf32, #tpu.memory_space<vmem_shared>>
      tpu.enqueue_dma source(%dma_start3A_39 : memref<624x128xf32, #tpu.memory_space<vmem_shared>>) target(%dma_start3A_37 : memref<624x128xf32, #tpu.memory_space<hbm>>) target_semaphore(%run_scoped3A : memref<!tpu.dma_semaphore, #tpu.memory_space<semaphore_mem>>)
      %dma_wait3A = arith.constant 0 : i32
      %dma_wait3A_40 = tpu.memref_slice %arg5[%add3A_31, %dma_wait3A] : memref<20000x128xf32, #tpu.memory_space<hbm>> -> memref<624x128xf32, #tpu.memory_space<hbm>>
      %dma_wait3A_41 = arith.constant 0 : i32
      %dma_wait3A_42 = tpu.memref_slice %arg9[%mul3A_5, %dma_wait3A_41] : memref<10008x128xf32, #tpu.memory_space<vmem_shared>> -> memref<624x128xf32, #tpu.memory_space<vmem_shared>>
      tpu.wait_dma2 semaphore(%run_scoped3A : memref<!tpu.dma_semaphore, #tpu.memory_space<semaphore_mem>>) src(%dma_wait3A_42 : memref<624x128xf32, #tpu.memory_space<vmem_shared>>) dst(%dma_wait3A_40 : memref<624x128xf32, #tpu.memory_space<hbm>>)
      tpu.yield
    }) : () -> ()
    %eq3A_32 = arith.constant 15 : i32
    %eq3A_33 = arith.cmpi eq, %arg1, %eq3A_32 : i32
    %convert_element_type3A_34 = arith.extui %eq3A_33 : i1 to i32
    %cond3A_35 = arith.constant 0 : i32
    %cond3A_36 = arith.cmpi ne, %convert_element_type3A_34, %cond3A_35 : i32
    scf.if %cond3A_36 {
      %mul3A_37 = arith.constant 10000 : i32
      %mul3A_38 = arith.muli %arg0, %mul3A_37 : i32
      %add3A_39 = arith.constant 9984 : i32
      %add3A_40 = arith.addi %mul3A_38, %add3A_39 : i32
      "tpu.region"() ({
        %run_scoped3A = tpu.sem_alloc : memref<!tpu.dma_semaphore, #tpu.memory_space<semaphore_mem>>
        %dma_start3A = arith.constant 0 : i32
        %dma_start3A_41 = tpu.memref_slice %arg5[%add3A_40, %dma_start3A] : memref<20000x128xf32, #tpu.memory_space<hbm>> -> memref<16x128xf32, #tpu.memory_space<hbm>>
        %dma_start3A_42 = arith.constant 9984 : i32
        %dma_start3A_43 = arith.constant 0 : i32
        %dma_start3A_44 = tpu.memref_slice %arg9[%dma_start3A_42, %dma_start3A_43] : memref<10008x128xf32, #tpu.memory_space<vmem_shared>> -> memref<16x128xf32, #tpu.memory_space<vmem_shared>>
        tpu.enqueue_dma source(%dma_start3A_44 : memref<16x128xf32, #tpu.memory_space<vmem_shared>>) target(%dma_start3A_41 : memref<16x128xf32, #tpu.memory_space<hbm>>) target_semaphore(%run_scoped3A : memref<!tpu.dma_semaphore, #tpu.memory_space<semaphore_mem>>)
        %dma_wait3A = arith.constant 0 : i32
        %dma_wait3A_45 = tpu.memref_slice %arg5[%add3A_40, %dma_wait3A] : memref<20000x128xf32, #tpu.memory_space<hbm>> -> memref<16x128xf32, #tpu.memory_space<hbm>>
        %dma_wait3A_46 = arith.constant 9984 : i32
        %dma_wait3A_47 = arith.constant 0 : i32
        %dma_wait3A_48 = tpu.memref_slice %arg9[%dma_wait3A_46, %dma_wait3A_47] : memref<10008x128xf32, #tpu.memory_space<vmem_shared>> -> memref<16x128xf32, #tpu.memory_space<vmem_shared>>
        tpu.wait_dma2 semaphore(%run_scoped3A : memref<!tpu.dma_semaphore, #tpu.memory_space<semaphore_mem>>) src(%dma_wait3A_48 : memref<16x128xf32, #tpu.memory_space<vmem_shared>>) dst(%dma_wait3A_45 : memref<16x128xf32, #tpu.memory_space<hbm>>)
        tpu.yield
      }) : () -> ()
    } else {
    }
    return
  }
}

module attributes {stable_mosaic.version = 14 : i64} {
  func.func @_msg_body(%arg0: i32, %arg1: memref<1000x256xf32, #tpu.memory_space<vmem>>, %arg2: memref<256x256xf32, #tpu.memory_space<vmem>>, %arg3: memref<1x256xf32, #tpu.memory_space<vmem>>, %arg4: memref<256x256xf32, #tpu.memory_space<vmem>>, %arg5: memref<1x256xf32, #tpu.memory_space<vmem>>, %arg6: memref<2x1000x128xf32, #tpu.memory_space<vmem>>, %arg7: memref<1000x256xf32, #tpu.memory_space<vmem>>) attributes {dimension_semantics = [#tpu.dimension_semantics<arbitrary>], iteration_bounds = array<i64: 10>, scalar_prefetch = 0 : i64, scratch_operands = 0 : i64, tpu.core_type = #tpu.core_type<tc>, window_params = [{transform_indices = @transform_0, window_bounds = array<i64: 1000, 256>}, {pipeline_mode = #tpu.pipeline_mode<synchronous>, transform_indices = @transform_1, window_bounds = array<i64: 256, 256>}, {pipeline_mode = #tpu.pipeline_mode<synchronous>, transform_indices = @transform_2, window_bounds = array<i64: 1, 256>}, {pipeline_mode = #tpu.pipeline_mode<synchronous>, transform_indices = @transform_3, window_bounds = array<i64: 256, 256>}, {pipeline_mode = #tpu.pipeline_mode<synchronous>, transform_indices = @transform_4, window_bounds = array<i64: 1, 256>}, {transform_indices = @transform_5, window_bounds = array<i64: 2, 1000, 128>}, {transform_indices = @transform_6, window_bounds = array<i64: 1000, 256>}]} {
    %get3A = arith.constant 0 : index
    %get3A_0 = arith.constant 0 : index
    %get3A_1 = vector.load %arg1[%get3A, %get3A_0] : memref<1000x256xf32, #tpu.memory_space<vmem>>, vector<1000x256xf32>
    %get3A_2 = arith.constant 0 : index
    %get3A_3 = arith.constant 0 : index
    %get3A_4 = vector.load %arg2[%get3A_2, %get3A_3] : memref<256x256xf32, #tpu.memory_space<vmem>>, vector<256x256xf32>
    %dot_general3A = arith.constant dense<0.000000e+00> : vector<1000x256xf32>
    %dot_general3A_5 = tpu.matmul %get3A_1, %get3A_4, %dot_general3A {dimension_numbers = #tpu.dot_dimension_numbers<[1], [0], [0], [1], [0, 0, 1, 1], [], []>, transpose_lhs_hint = false} : vector<1000x256xf32>, vector<256x256xf32>, vector<1000x256xf32> -> vector<1000x256xf32>
    %get3A_6 = arith.constant 0 : index
    %get3A_7 = arith.constant 0 : index
    %get3A_8 = vector.load %arg3[%get3A_6, %get3A_7] : memref<1x256xf32, #tpu.memory_space<vmem>>, vector<1x256xf32>
    %get3A_9 = vector.shape_cast %get3A_8 : vector<1x256xf32> to vector<256xf32>
    %broadcast_in_dim3A = vector.shape_cast %get3A_9 : vector<256xf32> to vector<1x256xf32>
    %add3A = vector.broadcast %broadcast_in_dim3A : vector<1x256xf32> to vector<1000x256xf32>
    %add3A_10 = arith.addf %dot_general3A_5, %add3A : vector<1000x256xf32>
    %slice3A = vector.extract_strided_slice %add3A_10 {offsets = [0, 0], sizes = [1000, 128], strides = [1, 1]} : vector<1000x256xf32> to vector<1000x128xf32>
    %swap3A = arith.constant 0 : index
    %swap3A_11 = arith.constant 0 : index
    %swap3A_12 = arith.constant 0 : index
    %swap3A_13 = vector.load %arg6[%swap3A, %swap3A_11, %swap3A_12] : memref<2x1000x128xf32, #tpu.memory_space<vmem>>, vector<1x1000x128xf32>
    %swap3A_14 = vector.shape_cast %swap3A_13 : vector<1x1000x128xf32> to vector<1000x128xf32>
    %swap3A_15 = vector.shape_cast %slice3A : vector<1000x128xf32> to vector<1x1000x128xf32>
    tpu.vector_store %arg6[%swap3A, %swap3A_11, %swap3A_12], %swap3A_15 {strides = array<i32>} : memref<2x1000x128xf32, #tpu.memory_space<vmem>>, vector<1x1000x128xf32>,
    %slice3A_16 = vector.extract_strided_slice %add3A_10 {offsets = [0, 128], sizes = [1000, 128], strides = [1, 1]} : vector<1000x256xf32> to vector<1000x128xf32>
    %swap3A_17 = arith.constant 1 : index
    %swap3A_18 = arith.constant 0 : index
    %swap3A_19 = arith.constant 0 : index
    %swap3A_20 = vector.load %arg6[%swap3A_17, %swap3A_18, %swap3A_19] : memref<2x1000x128xf32, #tpu.memory_space<vmem>>, vector<1x1000x128xf32>
    %swap3A_21 = vector.shape_cast %swap3A_20 : vector<1x1000x128xf32> to vector<1000x128xf32>
    %swap3A_22 = vector.shape_cast %slice3A_16 : vector<1000x128xf32> to vector<1x1000x128xf32>
    tpu.vector_store %arg6[%swap3A_17, %swap3A_18, %swap3A_19], %swap3A_22 {strides = array<i32>} : memref<2x1000x128xf32, #tpu.memory_space<vmem>>, vector<1x1000x128xf32>,
    %get3A_23 = arith.constant 0 : index
    %get3A_24 = arith.constant 0 : index
    %get3A_25 = vector.load %arg4[%get3A_23, %get3A_24] : memref<256x256xf32, #tpu.memory_space<vmem>>, vector<256x256xf32>
    %dot_general3A_26 = arith.constant dense<0.000000e+00> : vector<1000x256xf32>
    %dot_general3A_27 = tpu.matmul %get3A_1, %get3A_25, %dot_general3A_26 {dimension_numbers = #tpu.dot_dimension_numbers<[1], [0], [0], [1], [0, 0, 1, 1], [], []>, transpose_lhs_hint = false} : vector<1000x256xf32>, vector<256x256xf32>, vector<1000x256xf32> -> vector<1000x256xf32>
    %get3A_28 = arith.constant 0 : index
    %get3A_29 = arith.constant 0 : index
    %get3A_30 = vector.load %arg5[%get3A_28, %get3A_29] : memref<1x256xf32, #tpu.memory_space<vmem>>, vector<1x256xf32>
    %get3A_31 = vector.shape_cast %get3A_30 : vector<1x256xf32> to vector<256xf32>
    %broadcast_in_dim3A_32 = vector.shape_cast %get3A_31 : vector<256xf32> to vector<1x256xf32>
    %add3A_33 = vector.broadcast %broadcast_in_dim3A_32 : vector<1x256xf32> to vector<1000x256xf32>
    %add3A_34 = arith.addf %dot_general3A_27, %add3A_33 : vector<1000x256xf32>
    %swap3A_35 = arith.constant 0 : index
    %swap3A_36 = arith.constant 0 : index
    %swap3A_37 = vector.load %arg7[%swap3A_35, %swap3A_36] : memref<1000x256xf32, #tpu.memory_space<vmem>>, vector<1000x256xf32>
    tpu.vector_store %arg7[%swap3A_35, %swap3A_36], %add3A_34 {strides = array<i32>} : memref<1000x256xf32, #tpu.memory_space<vmem>>, vector<1000x256xf32>,
    return
  }
  func.func @transform_0(%arg0: i32) -> (i32, i32) {
    %c0_i32 = arith.constant 0 : i32
    %c0_i32_0 = arith.constant 0 : i32
    return %arg0, %c0_i32 : i32, i32
  }
  func.func @transform_1(%arg0: i32) -> (i32, i32) {
    %c0_i32 = arith.constant 0 : i32
    %c0_i32_0 = arith.constant 0 : i32
    %c0_i32_1 = arith.constant 0 : i32
    return %c0_i32, %c0_i32_0 : i32, i32
  }
  func.func @transform_2(%arg0: i32) -> (i32, i32) {
    %c0_i32 = arith.constant 0 : i32
    %c0_i32_0 = arith.constant 0 : i32
    %c0_i32_1 = arith.constant 0 : i32
    return %c0_i32, %c0_i32_0 : i32, i32
  }
  func.func @transform_3(%arg0: i32) -> (i32, i32) {
    %c0_i32 = arith.constant 0 : i32
    %c0_i32_0 = arith.constant 0 : i32
    %c0_i32_1 = arith.constant 0 : i32
    return %c0_i32, %c0_i32_0 : i32, i32
  }
  func.func @transform_4(%arg0: i32) -> (i32, i32) {
    %c0_i32 = arith.constant 0 : i32
    %c0_i32_0 = arith.constant 0 : i32
    %c0_i32_1 = arith.constant 0 : i32
    return %c0_i32, %c0_i32_0 : i32, i32
  }
  func.func @transform_5(%arg0: i32) -> (i32, i32, i32) {
    %c0_i32 = arith.constant 0 : i32
    %c0_i32_0 = arith.constant 0 : i32
    %c0_i32_1 = arith.constant 0 : i32
    return %c0_i32, %arg0, %c0_i32_0 : i32, i32, i32
  }
  func.func @transform_6(%arg0: i32) -> (i32, i32) {
    %c0_i32 = arith.constant 0 : i32
    %c0_i32_0 = arith.constant 0 : i32
    return %arg0, %c0_i32 : i32, i32
  }
}

module attributes {stable_mosaic.version = 14 : i64} {
  func.func @_upd_body(%arg0: i32, %arg1: memref<1000x256xf32, #tpu.memory_space<vmem>>, %arg2: memref<2x1000x128xf32, #tpu.memory_space<vmem>>, %arg3: memref<2x128x256xf32, #tpu.memory_space<vmem>>, %arg4: memref<1000x256xf32, #tpu.memory_space<vmem>>) attributes {dimension_semantics = [#tpu.dimension_semantics<arbitrary>], iteration_bounds = array<i64: 10>, scalar_prefetch = 0 : i64, scratch_operands = 0 : i64, tpu.core_type = #tpu.core_type<tc>, window_params = [{transform_indices = @transform_0, window_bounds = array<i64: 1000, 256>}, {transform_indices = @transform_1, window_bounds = array<i64: 2, 1000, 128>}, {pipeline_mode = #tpu.pipeline_mode<synchronous>, transform_indices = @transform_2, window_bounds = array<i64: 2, 128, 256>}, {transform_indices = @transform_3, window_bounds = array<i64: 1000, 256>}]} {
    %get3A = arith.constant 0 : index
    %get3A_0 = arith.constant 0 : index
    %get3A_1 = vector.load %arg1[%get3A, %get3A_0] : memref<1000x256xf32, #tpu.memory_space<vmem>>, vector<1000x256xf32>
    %get3A_2 = arith.constant 0 : index
    %get3A_3 = arith.constant 0 : index
    %get3A_4 = arith.constant 0 : index
    %get3A_5 = vector.load %arg2[%get3A_2, %get3A_3, %get3A_4] : memref<2x1000x128xf32, #tpu.memory_space<vmem>>, vector<1x1000x128xf32>
    %get3A_6 = vector.shape_cast %get3A_5 : vector<1x1000x128xf32> to vector<1000x128xf32>
    %get3A_7 = arith.constant 0 : index
    %get3A_8 = arith.constant 0 : index
    %get3A_9 = arith.constant 0 : index
    %get3A_10 = vector.load %arg3[%get3A_7, %get3A_8, %get3A_9] : memref<2x128x256xf32, #tpu.memory_space<vmem>>, vector<1x128x256xf32>
    %get3A_11 = vector.shape_cast %get3A_10 : vector<1x128x256xf32> to vector<128x256xf32>
    %dot_general3A = arith.constant dense<0.000000e+00> : vector<1000x256xf32>
    %dot_general3A_12 = tpu.matmul %get3A_6, %get3A_11, %dot_general3A {dimension_numbers = #tpu.dot_dimension_numbers<[1], [0], [0], [1], [0, 0, 1, 1], [], []>, transpose_lhs_hint = false} : vector<1000x128xf32>, vector<128x256xf32>, vector<1000x256xf32> -> vector<1000x256xf32>
    %add3A = arith.addf %get3A_1, %dot_general3A_12 : vector<1000x256xf32>
    %get3A_13 = arith.constant 1 : index
    %get3A_14 = arith.constant 0 : index
    %get3A_15 = arith.constant 0 : index
    %get3A_16 = vector.load %arg2[%get3A_13, %get3A_14, %get3A_15] : memref<2x1000x128xf32, #tpu.memory_space<vmem>>, vector<1x1000x128xf32>
    %get3A_17 = vector.shape_cast %get3A_16 : vector<1x1000x128xf32> to vector<1000x128xf32>
    %get3A_18 = arith.constant 1 : index
    %get3A_19 = arith.constant 0 : index
    %get3A_20 = arith.constant 0 : index
    %get3A_21 = vector.load %arg3[%get3A_18, %get3A_19, %get3A_20] : memref<2x128x256xf32, #tpu.memory_space<vmem>>, vector<1x128x256xf32>
    %get3A_22 = vector.shape_cast %get3A_21 : vector<1x128x256xf32> to vector<128x256xf32>
    %dot_general3A_23 = arith.constant dense<0.000000e+00> : vector<1000x256xf32>
    %dot_general3A_24 = tpu.matmul %get3A_17, %get3A_22, %dot_general3A_23 {dimension_numbers = #tpu.dot_dimension_numbers<[1], [0], [0], [1], [0, 0, 1, 1], [], []>, transpose_lhs_hint = false} : vector<1000x128xf32>, vector<128x256xf32>, vector<1000x256xf32> -> vector<1000x256xf32>
    %add3A_25 = arith.addf %add3A, %dot_general3A_24 : vector<1000x256xf32>
    %max3A = arith.constant 0.000000e+00 : f32
    %max3A_26 = vector.broadcast %max3A : f32 to vector<1000x256xf32>
    %max3A_27 = arith.maximumf %add3A_25, %max3A_26 : vector<1000x256xf32>
    %swap3A = arith.constant 0 : index
    %swap3A_28 = arith.constant 0 : index
    %swap3A_29 = vector.load %arg4[%swap3A, %swap3A_28] : memref<1000x256xf32, #tpu.memory_space<vmem>>, vector<1000x256xf32>
    tpu.vector_store %arg4[%swap3A, %swap3A_28], %max3A_27 {strides = array<i32>} : memref<1000x256xf32, #tpu.memory_space<vmem>>, vector<1000x256xf32>,
    return
  }
  func.func @transform_0(%arg0: i32) -> (i32, i32) {
    %c0_i32 = arith.constant 0 : i32
    %c0_i32_0 = arith.constant 0 : i32
    return %arg0, %c0_i32 : i32, i32
  }
  func.func @transform_1(%arg0: i32) -> (i32, i32, i32) {
    %c0_i32 = arith.constant 0 : i32
    %c0_i32_0 = arith.constant 0 : i32
    %c0_i32_1 = arith.constant 0 : i32
    return %c0_i32, %arg0, %c0_i32_0 : i32, i32, i32
  }
  func.func @transform_2(%arg0: i32) -> (i32, i32, i32) {
    %c0_i32 = arith.constant 0 : i32
    %c0_i32_0 = arith.constant 0 : i32
    %c0_i32_1 = arith.constant 0 : i32
    %c0_i32_2 = arith.constant 0 : i32
    return %c0_i32, %c0_i32_0, %c0_i32_1 : i32, i32, i32
  }
  func.func @transform_3(%arg0: i32) -> (i32, i32) {
    %c0_i32 = arith.constant 0 : i32
    %c0_i32_0 = arith.constant 0 : i32
    return %arg0, %c0_i32 : i32, i32
  }
}

module attributes {stable_mosaic.version = 14 : i64} {
  func.func @_pool_body(%arg0: i32, %arg1: memref<1000x256xf32, #tpu.memory_space<vmem>>, %arg2: memref<256x128xf32, #tpu.memory_space<vmem>>, %arg3: memref<1x128xf32, #tpu.memory_space<vmem>>, %arg4: memref<1000x1xi32, #tpu.memory_space<vmem>>, %arg5: memref<64x128xf32, #tpu.memory_space<vmem>>, %arg6: memref<64x128xf32, #tpu.memory_space<vmem>>, %arg7: memref<64x128xf32, #tpu.memory_space<vmem>>) attributes {dimension_semantics = [#tpu.dimension_semantics<arbitrary>], iteration_bounds = array<i64: 10>, scalar_prefetch = 0 : i64, scratch_operands = 2 : i64, tpu.core_type = #tpu.core_type<tc>, window_params = [{transform_indices = @transform_0, window_bounds = array<i64: 1000, 256>}, {pipeline_mode = #tpu.pipeline_mode<synchronous>, transform_indices = @transform_1, window_bounds = array<i64: 256, 128>}, {pipeline_mode = #tpu.pipeline_mode<synchronous>, transform_indices = @transform_2, window_bounds = array<i64: 1, 128>}, {transform_indices = @transform_3, window_bounds = array<i64: 1000, 1>}, {pipeline_mode = #tpu.pipeline_mode<synchronous>, transform_indices = @transform_4, window_bounds = array<i64: 64, 128>}]} {
    %eq3A = arith.constant 0 : i32
    %eq3A_0 = arith.cmpi eq, %arg0, %eq3A : i32
    %convert_element_type3A = arith.extui %eq3A_0 : i1 to i32
    %cond3A = arith.constant 0 : i32
    %cond3A_1 = arith.cmpi ne, %convert_element_type3A, %cond3A : i32
    scf.if %cond3A_1 {
      %broadcast_in_dim3A_45 = arith.constant 0.000000e+00 : f32
      %broadcast_in_dim3A_46 = vector.broadcast %broadcast_in_dim3A_45 : f32 to vector<64x128xf32>
      %swap3A_47 = arith.constant 0 : index
      %swap3A_48 = arith.constant 0 : index
      %swap3A_49 = vector.load %arg6[%swap3A_47, %swap3A_48] : memref<64x128xf32, #tpu.memory_space<vmem>>, vector<64x128xf32>
      tpu.vector_store %arg6[%swap3A_47, %swap3A_48], %broadcast_in_dim3A_46 {strides = array<i32>} : memref<64x128xf32, #tpu.memory_space<vmem>>, vector<64x128xf32>,
      %broadcast_in_dim3A_50 = arith.constant 0.000000e+00 : f32
      %broadcast_in_dim3A_51 = vector.broadcast %broadcast_in_dim3A_50 : f32 to vector<64x128xf32>
      %swap3A_52 = arith.constant 0 : index
      %swap3A_53 = arith.constant 0 : index
      %swap3A_54 = vector.load %arg7[%swap3A_52, %swap3A_53] : memref<64x128xf32, #tpu.memory_space<vmem>>, vector<64x128xf32>
      tpu.vector_store %arg7[%swap3A_52, %swap3A_53], %broadcast_in_dim3A_51 {strides = array<i32>} : memref<64x128xf32, #tpu.memory_space<vmem>>, vector<64x128xf32>,
    } else {
    }
    %get3A = arith.constant 0 : index
    %get3A_2 = arith.constant 0 : index
    %get3A_3 = vector.load %arg1[%get3A, %get3A_2] : memref<1000x256xf32, #tpu.memory_space<vmem>>, vector<1000x256xf32>
    %get3A_4 = arith.constant 0 : index
    %get3A_5 = arith.constant 0 : index
    %get3A_6 = vector.load %arg2[%get3A_4, %get3A_5] : memref<256x128xf32, #tpu.memory_space<vmem>>, vector<256x128xf32>
    %dot_general3A = arith.constant dense<0.000000e+00> : vector<1000x128xf32>
    %dot_general3A_7 = tpu.matmul %get3A_3, %get3A_6, %dot_general3A {dimension_numbers = #tpu.dot_dimension_numbers<[1], [0], [0], [1], [0, 0, 1, 1], [], []>, transpose_lhs_hint = false} : vector<1000x256xf32>, vector<256x128xf32>, vector<1000x128xf32> -> vector<1000x128xf32>
    %get3A_8 = arith.constant 0 : index
    %get3A_9 = arith.constant 0 : index
    %get3A_10 = vector.load %arg3[%get3A_8, %get3A_9] : memref<1x128xf32, #tpu.memory_space<vmem>>, vector<1x128xf32>
    %get3A_11 = vector.shape_cast %get3A_10 : vector<1x128xf32> to vector<128xf32>
    %broadcast_in_dim3A = vector.shape_cast %get3A_11 : vector<128xf32> to vector<1x128xf32>
    %add3A = vector.broadcast %broadcast_in_dim3A : vector<1x128xf32> to vector<1000x128xf32>
    %add3A_12 = arith.addf %dot_general3A_7, %add3A : vector<1000x128xf32>
    %tanh3A = math.tanh %add3A_12 : vector<1000x128xf32>
    %iota3A = tpu.iota {dimensions = array<i32: 1>} : vector<1000x64xi32>
    %get3A_13 = arith.constant 0 : index
    %get3A_14 = arith.constant 0 : index
    %get3A_15 = vector.load %arg4[%get3A_13, %get3A_14] : memref<1000x1xi32, #tpu.memory_space<vmem>>, vector<1000x1xi32>
    %eq3A_16 = vector.broadcast %get3A_15 : vector<1000x1xi32> to vector<1000x64xi32>
    %eq3A_17 = arith.cmpi eq, %eq3A_16, %iota3A : vector<1000x64xi32>
    %jit3A = arith.constant 1.000000e+00 : f32
    %jit3A_18 = arith.constant 0.000000e+00 : f32
    %broadcast_in_dim3A_19 = vector.broadcast %jit3A : f32 to vector<1000x64xf32>
    %broadcast_in_dim3A_20 = vector.broadcast %jit3A_18 : f32 to vector<1000x64xf32>
    %select_n3A = arith.select %eq3A_17, %broadcast_in_dim3A_19, %broadcast_in_dim3A_20 : vector<1000x64xi1>, vector<1000x64xf32>
    %get3A_21 = arith.constant 0 : index
    %get3A_22 = arith.constant 0 : index
    %get3A_23 = vector.load %arg6[%get3A_21, %get3A_22] : memref<64x128xf32, #tpu.memory_space<vmem>>, vector<64x128xf32>
    %dot_general3A_24 = arith.constant dense<0.000000e+00> : vector<64x128xf32>
    %dot_general3A_25 = tpu.matmul %select_n3A, %tanh3A, %dot_general3A_24 {dimension_numbers = #tpu.dot_dimension_numbers<[0], [0], [1], [1], [0, 1, 1, 1], [], []>, transpose_lhs_hint = false} : vector<1000x64xf32>, vector<1000x128xf32>, vector<64x128xf32> -> vector<64x128xf32>
    %add3A_26 = arith.addf %get3A_23, %dot_general3A_25 : vector<64x128xf32>
    %swap3A = arith.constant 0 : index
    %swap3A_27 = arith.constant 0 : index
    %swap3A_28 = vector.load %arg6[%swap3A, %swap3A_27] : memref<64x128xf32, #tpu.memory_space<vmem>>, vector<64x128xf32>
    tpu.vector_store %arg6[%swap3A, %swap3A_27], %add3A_26 {strides = array<i32>} : memref<64x128xf32, #tpu.memory_space<vmem>>, vector<64x128xf32>,
    %get3A_29 = arith.constant 0 : index
    %get3A_30 = arith.constant 0 : index
    %get3A_31 = vector.load %arg7[%get3A_29, %get3A_30] : memref<64x128xf32, #tpu.memory_space<vmem>>, vector<64x128xf32>
    %broadcast_in_dim3A_32 = arith.constant 1.000000e+00 : f32
    %broadcast_in_dim3A_33 = vector.broadcast %broadcast_in_dim3A_32 : f32 to vector<1000x128xf32>
    %dot_general3A_34 = arith.constant dense<0.000000e+00> : vector<64x128xf32>
    %dot_general3A_35 = tpu.matmul %select_n3A, %broadcast_in_dim3A_33, %dot_general3A_34 {dimension_numbers = #tpu.dot_dimension_numbers<[0], [0], [1], [1], [0, 1, 1, 1], [], []>, transpose_lhs_hint = false} : vector<1000x64xf32>, vector<1000x128xf32>, vector<64x128xf32> -> vector<64x128xf32>
    %add3A_36 = arith.addf %get3A_31, %dot_general3A_35 : vector<64x128xf32>
    %swap3A_37 = arith.constant 0 : index
    %swap3A_38 = arith.constant 0 : index
    %swap3A_39 = vector.load %arg7[%swap3A_37, %swap3A_38] : memref<64x128xf32, #tpu.memory_space<vmem>>, vector<64x128xf32>
    tpu.vector_store %arg7[%swap3A_37, %swap3A_38], %add3A_36 {strides = array<i32>} : memref<64x128xf32, #tpu.memory_space<vmem>>, vector<64x128xf32>,
    %eq3A_40 = arith.constant 9 : i32
    %eq3A_41 = arith.cmpi eq, %arg0, %eq3A_40 : i32
    %convert_element_type3A_42 = arith.extui %eq3A_41 : i1 to i32
    %cond3A_43 = arith.constant 0 : i32
    %cond3A_44 = arith.cmpi ne, %convert_element_type3A_42, %cond3A_43 : i32
    scf.if %cond3A_44 {
      %get3A_45 = arith.constant 0 : index
      %get3A_46 = arith.constant 0 : index
      %get3A_47 = vector.load %arg6[%get3A_45, %get3A_46] : memref<64x128xf32, #tpu.memory_space<vmem>>, vector<64x128xf32>
      %get3A_48 = arith.constant 0 : index
      %get3A_49 = arith.constant 0 : index
      %get3A_50 = vector.load %arg7[%get3A_48, %get3A_49] : memref<64x128xf32, #tpu.memory_space<vmem>>, vector<64x128xf32>
      %max3A = arith.constant 1.000000e+00 : f32
      %max3A_51 = vector.broadcast %max3A : f32 to vector<64x128xf32>
      %max3A_52 = arith.maximumf %get3A_50, %max3A_51 : vector<64x128xf32>
      %div3A = arith.divf %get3A_47, %max3A_52 : vector<64x128xf32>
      %swap3A_53 = arith.constant 0 : index
      %swap3A_54 = arith.constant 0 : index
      %swap3A_55 = vector.load %arg5[%swap3A_53, %swap3A_54] : memref<64x128xf32, #tpu.memory_space<vmem>>, vector<64x128xf32>
      tpu.vector_store %arg5[%swap3A_53, %swap3A_54], %div3A {strides = array<i32>} : memref<64x128xf32, #tpu.memory_space<vmem>>, vector<64x128xf32>,
    } else {
    }
    return
  }
  func.func @transform_0(%arg0: i32) -> (i32, i32) {
    %c0_i32 = arith.constant 0 : i32
    %c0_i32_0 = arith.constant 0 : i32
    return %arg0, %c0_i32 : i32, i32
  }
  func.func @transform_1(%arg0: i32) -> (i32, i32) {
    %c0_i32 = arith.constant 0 : i32
    %c0_i32_0 = arith.constant 0 : i32
    %c0_i32_1 = arith.constant 0 : i32
    return %c0_i32, %c0_i32_0 : i32, i32
  }
  func.func @transform_2(%arg0: i32) -> (i32, i32) {
    %c0_i32 = arith.constant 0 : i32
    %c0_i32_0 = arith.constant 0 : i32
    %c0_i32_1 = arith.constant 0 : i32
    return %c0_i32, %c0_i32_0 : i32, i32
  }
  func.func @transform_3(%arg0: i32) -> (i32, i32) {
    %c0_i32 = arith.constant 0 : i32
    %c0_i32_0 = arith.constant 0 : i32
    return %arg0, %c0_i32 : i32, i32
  }
  func.func @transform_4(%arg0: i32) -> (i32, i32) {
    %c0_i32 = arith.constant 0 : i32
    %c0_i32_0 = arith.constant 0 : i32
    %c0_i32_1 = arith.constant 0 : i32
    return %c0_i32, %c0_i32_0 : i32, i32
  }
}

</mosaic_0001>

<sc_bundles>
// kernel: kernel.12.cloned.1.call-start
scs
__scs_entry_jumppad:
0x0: {  	(pc) =	sbr.rel $0x88, $3  }
0x1: {  	(tag) =	ssettag $0x0;
	lr =	simm.s32 $0x1  }
0x2: {  	[smem:$0x3F90] =	sst lr;
	_ =	strace $0xD0000000  }
0x3: {  	_ = 	snop  }
0x4: {  	_ = 	snop  }
0x5: {  	_ = 	snop  }
0x6: {  	_ = 	snop  }
0x7: {  	_ = 	snop  }
__scs_overlays_trampoline_lowered:
0x8: {  	[smem:$0x3F9F] =	sst s0  }
0x9: {  	[smem:$0x3FA0] =	sst s1  }
0xa: {  	[smem:$0x3FA1] =	sst s2  }
0xb: {  	[smem:$0x3FA2] =	sst s3  }
0xc: {  	[smem:$0x3FA3] =	sst s4  }
0xd: {  	[smem:$0x3FA4] =	sst s5  }
0xe: {  	[smem:$0x3FA5] =	sst s6  }
0xf: {  	[smem:$0x3FA6] =	sst s7  }
0x10: {  	[smem:$0x3FA7] =	sst s8  }
0x11: {  	[smem:$0x3FA8] =	sst s9;
	s0 =	simm.s32 @!p0 $0x0  }
0x12: {  	s1 =	sld [smem:$0x3F8E];
	s0 =	simm.s32 @p0 $0x1  }
0x13: {  	[smem:$0x3FA9] =	sst s0;
	s0 =	simm.s32 @!p1 $0x0  }
0x14: {  	s2 =	sld [smem:$0x3F8D];
	s0 =	simm.s32 @p1 $0x1  }
0x15: {  	[smem:$0x3FAA] =	sst s0;
	s0 =	simm.s32 @!p2 $0x0  }
0x16: {  	s3 =	sld [smem:$0x3FDB];
	s0 =	simm.s32 @p2 $0x1  }
0x17: {  	s4 =	simm.s32 $0x1BF5;
	[smem:$0x3FAC] =	sst s0  }
0x18: {  	s0 =	sld [smem:$0x3F8F];
	_ =	swait.ge [sflag:s4], $0x0  }
0x19: {  	s7 =	sld [smem:$0x3F90]  }
0x1a: {  	s8 =	sadd.s32 $0xFFFFE003, lr  }
0x1b: {  	s9 =	sadd.s32 $0xFFFFFEF7, lr;
	s5 =	simm.s32 $0xFFFFFFFF;
	p2 =	slt.u32 s8, $0xFFFFF086  }
0x1c: {  	p1 =	slt.u32 s9, $0xF7A;
	s5 =	simm.s32 @!p2 $0x0  }
0x1d: {  	s5 =	simm.s32 @p1 $0x1;
	p0 =	seq.s32 s7, s2  }
0x1e: {  	s7 =	smul.u32 @!p0 $0xF7A, s2;
	p2 =	seq.s32 @!p0 s5, $0x0  }
0x1f: {  	s9 =	smul.u32 $0xF7A, s1;
	s8 =	simm.s32 @!p0 $0x1BF5;
	p2 =	por !p2, p0  }
0x20: {  	[sflag:s8] =	ssyncset.s32 @!p0 $0xFFFFF086;
	s6 =	sadd.s32 @!p0 s3, s7;
	s7 =	simm.s32 @!p0 $0x108  }
0x21: {  	s3 =	sadd.s32 s3, s9;
	s6 =	sadd.s32 @!p0 $0x88, s6;
	s7 =	simm.s32 @p2 $0x1082  }
0x22: {  	[simem:s7], [sflag:s8] =	dma.local @!p0 [hbm:s6], $0xF7A  }
0x23: {  	s9 =	sor.u32 $0xD0000000, s2;
	s6 =	simm.s32 $0x108;
	_ =	swait.ge @!p0 [sflag:s8], $0x0  }
0x24: {  	s3 =	sadd.s32 $0x88, s3;
	s6 =	simm.s32 @!p1 $0x1082;
	[sflag:s4] =	ssyncset.s32 $0xFFFFF086  }
0x25: {  	[simem:s6], [sflag:s4] =	dma.local [hbm:s3], $0xF7A  }
0x26: {  	[smem:$0x3F90] =	sst s1;
	(tag) =	ssettag s2;
	_ =	strace s9  }
0x27: {  	s1 =	sld [smem:$0x3FA0]  }
0x28: {  	s2 =	sld [smem:$0x3FA1]  }
0x29: {  	s4 =	sld [smem:$0x3FA3]  }
0x2a: {  	p0 =	seq.s32 s5, $0x0;
	s5 =	sld [smem:$0x3FA4]  }
0x2b: {  	s6 =	sld [smem:$0x3FA5]  }
0x2c: {  	s7 =	sld [smem:$0x3FA6]  }
0x2d: {  	s3 =	simm.s32 $0x108;
	s8 =	sld [smem:$0x3FA7]  }
0x2e: {  	s3 =	simm.s32 @!p0 $0x1082;
	s9 =	sld [smem:$0x3FA8]  }
0x2f: {  	lr =	sadd.s32 s0, s3;
	s0 =	sld [smem:$0x3F9F]  }
0x30: {  	s3 =	sld [smem:$0x3FA2]  }
0x31: {  	[smem:$0x3FAB] =	sst s10  }
0x32: {  	s10 =	sld [smem:$0x3FA9];
	_ =	sdelay $0x3  }
0x33: {  	p0 =	seq.s32 s10, $0x1;
	s10 =	sld [smem:$0x3FAB];
	_ =	sdelay $0x3  }
0x34: {  	[smem:$0x3FAB] =	sst s10  }
0x35: {  	s10 =	sld [smem:$0x3FAA];
	_ =	sdelay $0x3  }
0x36: {  	p1 =	seq.s32 s10, $0x1;
	s10 =	sld [smem:$0x3FAB];
	_ =	sdelay $0x3  }
0x37: {  	[smem:$0x3FAB] =	sst s10  }
0x38: {  	s10 =	sld [smem:$0x3FAC]  }
0x39: {  	_ = 	snop;
	(pc) =	sbr.ind lr, $3  }
0x3a: {  	_ = 	snop  }
0x3b: {  	_ = 	snop  }
0x3c: {  	p2 =	seq.s32 s10, $0x1;
	s10 =	sld [smem:$0x3FAB]  }
0x3d: {  	_ =	shalt  }
0x3e: {  	_ =	shalt  }
0x3f: {  	_ =	shalt  }
0x40: {  	_ =	shalt  }
0x41: {  	_ =	shalt  }
0x42: {  	_ =	shalt  }
0x43: {  	_ =	shalt  }
0x44: {  	_ =	shalt  }
0x45: {  	_ =	shalt  }
0x46: {  	_ =	shalt  }
0x47: {  	_ =	shalt  }
0x48: {  	_ =	shalt  }
0x49: {  	_ =	shalt  }
0x4a: {  	_ =	shalt  }
0x4b: {  	_ =	shalt  }
0x4c: {  	_ =	shalt  }
0x4d: {  	_ =	shalt  }
0x4e: {  	_ =	shalt  }
0x4f: {  	_ =	shalt  }
0x50: {  	_ =	shalt  }
0x51: {  	_ =	shalt  }
0x52: {  	_ =	shalt  }
0x53: {  	_ =	shalt  }
0x54: {  	_ =	shalt  }
0x55: {  	_ =	shalt  }
0x56: {  	_ =	shalt  }
0x57: {  	_ =	shalt  }
0x58: {  	_ =	shalt  }
0x59: {  	_ =	shalt  }
0x5a: {  	_ =	shalt  }
0x5b: {  	_ =	shalt  }
0x5c: {  	_ =	shalt  }
0x5d: {  	_ =	shalt  }
0x5e: {  	_ =	shalt  }
0x5f: {  	_ =	shalt  }
0x60: {  	_ =	shalt  }
0x61: {  	_ =	shalt  }
0x62: {  	_ =	shalt  }
0x63: {  	_ =	shalt  }
0x64: {  	_ =	shalt  }
0x65: {  	_ =	shalt  }
0x66: {  	_ =	shalt  }
0x67: {  	_ =	shalt  }
0x68: {  	_ =	shalt  }
0x69: {  	_ =	shalt  }
0x6a: {  	_ =	shalt  }
0x6b: {  	_ =	shalt  }
0x6c: {  	_ =	shalt  }
0x6d: {  	_ =	shalt  }
0x6e: {  	_ =	shalt  }
0x6f: {  	_ =	shalt  }
0x70: {  	_ =	shalt  }
0x71: {  	_ =	shalt  }
0x72: {  	_ =	shalt  }
0x73: {  	_ =	shalt  }
0x74: {  	_ =	shalt  }
0x75: {  	_ =	shalt  }
0x76: {  	_ =	shalt  }
0x77: {  	_ =	shalt  }
0x78: {  	_ =	shalt  }
0x79: {  	_ =	shalt  }
0x7a: {  	_ =	shalt  }
0x7b: {  	_ =	shalt  }
0x7c: {  	_ =	shalt  }
0x7d: {  	_ =	shalt  }
0x7e: {  	_ =	shalt  }
0x7f: {  	_ =	shalt  }
0x80: {  	_ =	shalt  }
0x81: {  	_ =	shalt  }
0x82: {  	_ =	shalt  }
0x83: {  	_ =	shalt  }
0x84: {  	_ =	shalt  }
0x85: {  	_ =	shalt  }
0x86: {  	_ =	shalt  }
0x87: {  	_ =	shalt  }
.Lfunc_end0:
.L_simem_size_0:
called_computation_lowered:
.L_overlay_start_0:
0x88: {  	s2 =	sld [smem:$0x3FD9]  }
0x89: {  	s3 =	sld [smem:$0x3FFE];
	_ =	sdelay $0x1  }
0x8a: {  	s1 =	srdreg.scid  }
0x8b: {  	s0 =	sand.u32 $0x1, s1  }
0x8c: {  	s16 =	sshll.u32 s0, $0xA;
	s2 =	sadd.s32 s3, s2  }
0x8d: {  	s2 =	sadd.s32 s2, s16  }
0x8e: {  	[smem:$0x3FB7] =	sst s2  }
0x8f: {  	_ = 	snop  }
0x90: {  	(tm) =	ssettm $0x1  }
0x91: {  	s17 =	sld [smem:$0x3FFB];
	_ =	sdelay $0x3  }
0x92: {  	_ =	strace s17  }
0x93: {  	s2 =	sld [smem:$0x3FFC];
	_ =	sdelay $0x3  }
0x94: {  	_ =	strace s2  }
0x95: {  	s2 =	sld [smem:$0x3FFD];
	_ =	sdelay $0x3  }
0x96: {  	_ =	strace s2  }
0x97: {  	_ =	strace $0x8FFFFFFF  }
0x98: {  	s18 =	sld [smem:$0x3FDB];
	_ =	sdelay $0x1  }
0x99: {  	s19 =	simm.s32 $_scs_section_size  }
0x9a: {  	s4 =	simm.s32 $_size__tile_overlayer_lowered;
	s5 =	simm.s32 $_tile_overlayer_lowered  }
0x9b: {  	s22 =	simm.s32 $0x1BFF;
	s21 =	sshll.u32 s5, $0x1;
	s2 =	sadd.s32 s19, s18  }
0x9c: {  	s6 =	simm.s32 $0x0;
	s20 =	sshll.u32 s4, $0x1;
	s4 =	sadd.s32 s21, s2  }
0x9d: {  	[timem:s6], [sflag:s22] =	dma.local [hbm:s4], s20  }
0x9e: {  	_ =	swait.ge [sflag:s22], s20  }
0x9f: {  	s3 =	ssub.s32 $0x0, s20;
	[sflag:s22] =	ssyncset.done $0x0  }
0xa0: {  	[sflag:s22] =	ssyncadd.s32 s3;
	_ =	sdelay $0x1  }
0xa1: {  	s23 =	simm.s32 $0x1B8B  }
0xa2: {  	_ =	swait.ge [sflag:s23], $0x1  }
0xa3: {  	[sflag:s23] =	ssyncset.done $0x0  }
0xa4: {  	s25 =	simm.s32 $0x1B8E;
	s24 =	sld [smem:$0x3FFE];
	[sflag:s23] =	ssyncadd.s32 $0xFFFFFFFF  }
0xa5: {  	s26 =	simm.s32 $execute0_lowered;
	[smem:$0x3FD2] =	sst s25  }
0xa6: {  	s4 =	sshll.u32 s26, $0x1;
	_ =	strace $0x80000046;
	[dreg:$0x1] =	wrdreg $0xFFFFFFFF  }
0xa7: {  	s28 =	simm.s32 $_size_execute0_lowered;
	s2 =	sadd.s32 s2, s4;
	[dreg:$0x0] =	wrdreg $0x0  }
0xa8: {  	s4 =	sshll.u32 s28, $0x1;
	[dreg:$0x2] =	wrdreg s2  }
0xa9: {  	[dreg:$0x3] =	wrdreg s4  }
0xaa: {  	[dreg:$0x4] =	wrdreg $0xC0  }
0xab: {  	_ =	task [dreg:s6], $0x5FFFF  }
0xac: {  	[dreg:$0x1] =	wrdreg $0xFFFFFFFF  }
0xad: {  	[dreg:$0x0] =	wrdreg $0x60  }
0xae: {  	[dreg:$0x2] =	wrdreg s24  }
0xaf: {  	[dreg:$0x3] =	wrdreg $0x41000  }
0xb0: {  	[dreg:$0x4] =	wrdreg $0x9  }
0xb1: {  	_ =	task.clear_ibuf [dreg:s6], $0x5FFFF;
	_ =	strace $0x90000046  }
0xb2: {  	s29 =	simm.s32 $0x9;
	_ =	strace $0x80000048  }
0xb3: {  	_ =	swait.ge [sflag:s29], $0x1  }
0xb4: {  	[sflag:s29] =	ssyncadd.s32 $0xFFFFFFFF  }
0xb5: {  	_ =	strace $0x90000048  }
0xb6: {  	_ =	sfence  }
0xb7: {  	s30 =	sld [smem:$0x0];
	_ =	sdelay $0x2  }
0xb8: {  	s31 =	sshll.u32 s1, $0xD;
	s1 =	sshrl.u32 s1, $0x2  }
0xb9: {  	s3 =	sand.u32 $0x4000, s31;
	s1 =	sadd.s32 s1, s30  }
0xba: {  	s0 =	sor.u32 s3, s0;
	s1 =	sshll.u32 s1, $0x11  }
0xbb: {  	s0 =	sor.u32 s1, s0  }
0xbc: {  	s0 =	sadd.s32 $0x8F2B, s0  }
0xbd: {  	[sflag:s0] =	ssyncadd.remote.s32 $0x1  }
0xbe: {  	_ =	sfence.sel $0xFFFF  }
0xbf: {  	[dreg:$0x0] =	wrdreg $0xFFFFFFFF;
	(pc) =	sbr.abs _section_cstart, $3  }
0xc0: {  	[dreg:$0x1] =	wrdreg $0xFFFFFFFF  }
0xc1: {  	_ =	task.clear_ibuf [dreg:s6], $0x2FFFF;
	_ =	strace $0x9FFFFFFF  }
0xc2: {  	(tm) =	ssettm $0x7FFFFFFF  }
0xc3: {  	_ =	shalt  }
tec
execute0_lowered:
.L_overlay_start_1:
0x0: {  	(tag) =	ssettag $0x1  }
0x1: {  	s5 =	rddreg [dreg:$0x0];
	s1 =	srdreg.scid  }
0x2: {  	s0 =	stileid.u32;
	s2 =	rddreg [dreg:$0x1]  }
0x3: {  	s3 =	simm.s32 $0x0;
	s17 =	simm.s32 $0x2;
	s4 =	smul.u32 $0x2800, s0  }
0x4: {  	s18 =	simm.s32 $0x80;
	s19 =	simm.s32 $0x1;
	s8 =	smul.u32 $0x500, s0  }
0x5: {  	s7 =	sand.u32 $0x1, s1;
	s1 =	rddreg [dreg:$0x2];
	s9 =	smul.u32 $0x4E000, s0  }
0x6: {  	s22 =	simm.s32 $0x0;
	[smem:$0x7FF] =	sst s3;
	s10 =	smul.u32 $0x2700, s0  }
0x7: {  	s11 =	sadd.s32 $0x60C00, s5;
	p0 =	sne.s32 s0, $0xF;
	s6 =	smul.u32 $0x28000, s7  }
0x8: {  	s20 =	sshll.u32 s0, $0x6;
	_ =	strace $0x80000047;
	s31 =	smul.u32 $0x138800, s7  }
0x9: {  	s28 =	ssub.s32 $0x2, s7;
	s12 =	smul.u32 $0x27100, s7;
	s20 =	sor.u32 $0x1C02, s20  }
0xa: {  	s15 =	sadd.s32 s8, s5;
	s29 =	sshrl.u32 s9, $0x2;
	s30 =	sshrl.u32 s28, $0x1  }
0xb: {  	s6 =	sadd.s32 s4, s6;
	s4 =	sadd.s32 $0x12A00, s5;
	s13 =	ssub.s32 s28, s30  }
0xc: {  	s16 =	sshrl.u32 s31, $0x3;
	s12 =	sadd.s32 s10, s12;
	s10 =	sadd.s32 $0x138000, s2  }
0xd: {  	s15 =	sadd.s32 $0xDA00, s15;
	s6 =	sshrl.u32 s6, $0x3;
	s16 =	sadd.s32 s11, s16  }
0xe: {  	s11 =	sadd.s32 s11, s12;
	s13 =	smax.u32 s13, $0x1;
	s14 =	sadd.s32 s6, s5  }
0xf: {  	s5 =	sadd.s32 s29, s2;
	s12 =	sadd.s32 $0x27000, s16;
	s16 =	simm.s32 $0x100  }
0x10: {  	s6 =	sadd.s32 $0x4000, s5;
	s7 =	sadd.s32 $0x8000, s5;
	s8 =	sadd.s32 $0xC000, s5  }
0x11: {  	v0 =	vimm.f32 $0.0e+00;
	s9 =	sadd.s32 $0x10000, s5;
	s14 =	sadd.s32 $0x3A00, s14;
	s21 =	sshrl.u32 s5, $0x3  }
.LBB2_1:
0x12: {  	s23 =	simm.s32 $0x0;
	s24 =	simm.s32 $0x200  }
.LBB2_2:
0x13: {  	p1 =	sne.s32 s24, $0xFE00;
	[tilespmem:s23+$0x170] =	vst v0  }
0x14: {  	[tilespmem:s23+$0x100] =	vst v0  }
0x15: {  	[tilespmem:s23+$0x110] =	vst v0  }
.Ltmp0:
0x16: {  	[tilespmem:s23+$0x120] =	vst v0;
	(pc) =	sbr.rel @p1 .LBB2_2-.Ltmp0, $4  }
0x17: {  	[tilespmem:s23+$0x130] =	vst v0  }
0x18: {  	[tilespmem:s23+$0x140] =	vst v0  }
0x19: {  	[tilespmem:s23+$0x150] =	vst v0  }
0x1a: {  	[tilespmem:s23+$0x160] =	vst v0;
	s23 =	sshra.s32 s24, $0x2;
	s24 =	sadd.s32 $0x200, s24  }
0x1b: {  	[tilespmem:s23+$0x170] =	vst v0  }
0x1c: {  	[tilespmem:s23+$0x100] =	vst v0  }
0x1d: {  	[tilespmem:s23+$0x110] =	vst v0  }
0x1e: {  	[tilespmem:s23+$0x120] =	vst v0  }
0x1f: {  	[tilespmem:s23+$0x130] =	vst v0  }
0x20: {  	[tilespmem:s23+$0x140] =	vst v0  }
0x21: {  	[tilespmem:s23+$0x150] =	vst v0  }
0x22: {  	[tilespmem:s23+$0x160] =	vst v0  }
0x23: {  	[spmem:s5] =	stream.linear.scatter [tilespmem:s16], [sflag:$0x2], $0x4000, $0x38;
	[tilespmem:$0x179C0] =	vst v63  }
0x24: {  	_ =	swait.ge [sflag:s17], $0x4000  }
0x25: {  	[sflag:s17] =	ssyncset.done $0x0  }
0x26: {  	[sflag:s17] =	ssyncadd.s32 $0xFFFFC000  }
0x27: {  	[spmem:s6] =	stream.linear.scatter [tilespmem:s16], [sflag:$0x2], $0x4000, $0x38;
	[tilespmem:$0x179C0] =	vst v63  }
0x28: {  	_ =	swait.ge [sflag:s17], $0x4000  }
0x29: {  	[sflag:s17] =	ssyncset.done $0x0  }
0x2a: {  	[sflag:s17] =	ssyncadd.s32 $0xFFFFC000  }
0x2b: {  	[spmem:s7] =	stream.linear.scatter [tilespmem:s16], [sflag:$0x2], $0x4000, $0x38;
	[tilespmem:$0x179C0] =	vst v63  }
0x2c: {  	_ =	swait.ge [sflag:s17], $0x4000  }
0x2d: {  	[sflag:s17] =	ssyncset.done $0x0  }
0x2e: {  	[sflag:s17] =	ssyncadd.s32 $0xFFFFC000  }
0x2f: {  	[spmem:s8] =	stream.linear.scatter [tilespmem:s16], [sflag:$0x2], $0x4000, $0x38;
	[tilespmem:$0x179C0] =	vst v63  }
0x30: {  	_ =	swait.ge [sflag:s17], $0x4000  }
0x31: {  	[sflag:s17] =	ssyncset.done $0x0  }
0x32: {  	[sflag:s17] =	ssyncadd.s32 $0xFFFFC000  }
0x33: {  	[spmem:s9] =	stream.linear.scatter [tilespmem:s16], [sflag:$0x2], $0x3800, $0x38;
	[tilespmem:$0x179C0] =	vst v63  }
0x34: {  	_ =	swait.ge [sflag:s17], $0x3800  }
0x35: {  	[sflag:s17] =	ssyncset.done $0x0  }
0x36: {  	s23 =	simm.s32 @!p0 $0x100;
	[sflag:s17] =	ssyncadd.s32 $0xFFFFC800  }
0x37: {  	[spmem:s10] =	stream.linear.scatter @!p0 [tilespmem:s23], [sflag:$0x2], $0x800, $0x38;
	[tilespmem:$0x179C0] =	vst v63  }
0x38: {  	s23 =	simm.s32 @!p0 $0x2  }
0x39: {  	_ =	swait.ge @!p0 [sflag:s23], $0x800  }
0x3a: {  	[sflag:s23] =	ssyncset.done @!p0 $0x0  }
0x3b: {  	[sflag:s23] =	ssyncadd.s32 @!p0 $0xFFFFF800  }
0x3c: {  	s30 =	sadd.s32 $0x0, s14;
	[bflag:$0x0] =	sbarrier.arrive $0xFFFF  }
0x3d: {  	[tilespmem:s3], [sflag:$0x2] =	stream.linear.gather [hbm4b:s30+s3], $0x80, $0x38;
	[tilespmem:$0x179C0] =	vst v63  }
0x3e: {  	_ =	swait.ge [sflag:s17], $0x80  }
0x3f: {  	[sflag:s17] =	ssyncset.done $0x0  }
0x40: {  	s31 =	sadd.s32 $0x0, s15;
	[sflag:s17] =	ssyncadd.s32 $0xFFFFFF80  }
0x41: {  	[tilespmem:s18], [sflag:$0x2] =	stream.linear.gather [hbm4b:s31+s3], $0x80, $0x38;
	[tilespmem:$0x179C0] =	vst v63  }
0x42: {  	_ =	swait.ge [sflag:s17], $0x80  }
0x43: {  	[sflag:s17] =	ssyncset.done $0x0  }
0x44: {  	[sflag:s17] =	ssyncadd.s32 $0xFFFFFF80  }
0x45: {  	[tilespmem:s16], [sflag:$0x1] =	stream.indirect.gather [hbm4b:s4+s18], $0x80, s3, s18, $0xb8;
	[tilespmem:$0x179C0] =	vst v63  }
0x46: {  	_ =	swait.ge [sflag:s19], $0x4000  }
0x47: {  	[sflag:s19] =	ssyncset.done $0x0  }
0x48: {  	[sflag:s19] =	ssyncadd.s32 $0xFFFFC000  }
0x49: {  	[spmem:s2] =	stream.indirect.scatter.add.f32 [tilespmem:s16], [sflag:$0x2], $0x80, s18, s18, $0xb8;
	[tilespmem:$0x179C0] =	vst v63  }
0x4a: {  	_ =	swait.ge [sflag:s17], $0x4000  }
0x4b: {  	s24 =	simm.s32 $0x20;
	s23 =	simm.s32 $0x10;
	[sflag:s17] =	ssyncset.done $0x0  }
.LBB2_4:
0x4c: {  	s25 =	sadd.s32 s23, s14  }
0x4d: {  	[sflag:s17] =	ssyncadd.s32 $0xFFFFC000;
	s26 =	smov.u32 s24;
	s28 =	sadd.s32 $0x10, s24  }
0x4e: {  	[tilespmem:s3], [sflag:$0x2] =	stream.linear.gather [hbm4b:s25+s3], $0x80, $0x38;
	[tilespmem:$0x179C0] =	vst v63  }
0x4f: {  	p1 =	sne.s32 s24, $0x4F0;
	_ =	swait.ge [sflag:s17], $0x80  }
0x50: {  	[sflag:s17] =	ssyncset.done $0x0  }
0x51: {  	s24 =	sadd.s32 s23, s15;
	s23 =	smov.u32 s26;
	[sflag:s17] =	ssyncadd.s32 $0xFFFFFF80  }
0x52: {  	[tilespmem:s18], [sflag:$0x2] =	stream.linear.gather [hbm4b:s24+s3], $0x80, $0x38;
	[tilespmem:$0x179C0] =	vst v63  }
0x53: {  	_ =	swait.ge [sflag:s17], $0x80  }
0x54: {  	[sflag:s17] =	ssyncset.done $0x0  }
0x55: {  	[sflag:s17] =	ssyncadd.s32 $0xFFFFFF80  }
0x56: {  	[tilespmem:s16], [sflag:$0x1] =	stream.indirect.gather [hbm4b:s4+s18], $0x80, s3, s18, $0xb8;
	[tilespmem:$0x179C0] =	vst v63  }
0x57: {  	_ =	swait.ge [sflag:s19], $0x4000  }
.Ltmp1:
0x58: {  	[sflag:s19] =	ssyncset.done $0x0;
	(pc) =	sbr.rel @p1 .LBB2_4-.Ltmp1, $4  }
0x59: {  	[sflag:s19] =	ssyncadd.s32 $0xFFFFC000  }
0x5a: {  	[spmem:s2] =	stream.indirect.scatter.add.f32 [tilespmem:s16], [sflag:$0x2], $0x80, s18, s18, $0xb8;
	[tilespmem:$0x179C0] =	vst v63  }
0x5b: {  	_ =	swait.ge [sflag:s17], $0x4000  }
0x5c: {  	s24 =	smov.u32 s28;
	[sflag:s17] =	ssyncset.done $0x0  }
0x5d: {  	s24 =	sadd.s32 s23, s14;
	[sflag:s17] =	ssyncadd.s32 $0xFFFFC000  }
0x5e: {  	[tilespmem:s3], [sflag:$0x2] =	stream.linear.gather [hbm4b:s24+s3], $0x80, $0x38;
	[tilespmem:$0x179C0] =	vst v63  }
0x5f: {  	_ =	swait.ge [sflag:s17], $0x80  }
0x60: {  	[sflag:s17] =	ssyncset.done $0x0  }
0x61: {  	s31 =	sadd.s32 s23, s15;
	[sflag:s17] =	ssyncadd.s32 $0xFFFFFF80  }
0x62: {  	[tilespmem:s18], [sflag:$0x2] =	stream.linear.gather [hbm4b:s31+s3], $0x80, $0x38;
	[tilespmem:$0x179C0] =	vst v63  }
0x63: {  	_ =	swait.ge [sflag:s17], $0x80  }
0x64: {  	[sflag:s17] =	ssyncset.done $0x0  }
0x65: {  	[sflag:s17] =	ssyncadd.s32 $0xFFFFFF80  }
0x66: {  	[tilespmem:s16], [sflag:$0x1] =	stream.indirect.gather [hbm4b:s4+s18], $0x80, s3, s18, $0xb8;
	[tilespmem:$0x179C0] =	vst v63  }
0x67: {  	_ =	swait.ge [sflag:s19], $0x4000  }
0x68: {  	[sflag:s19] =	ssyncset.done $0x0  }
0x69: {  	[sflag:s19] =	ssyncadd.s32 $0xFFFFC000  }
0x6a: {  	[spmem:s2] =	stream.indirect.scatter.add.f32 [tilespmem:s16], [sflag:$0x2], $0x80, s18, s18, $0xb8;
	[tilespmem:$0x179C0] =	vst v63  }
0x6b: {  	_ =	swait.ge [sflag:s17], $0x4000  }
0x6c: {  	[sflag:s17] =	ssyncset.done $0x0  }
0x6d: {  	[sflag:s17] =	ssyncadd.s32 $0xFFFFC000  }
0x6e: {  	[bflag:$0x0] =	sbarrier.arrive $0xFFFF  }
0x6f: {  	[hbm:s11], [sflag:s20] =	dma.local [spmem:s21], $0x2700  }
0x70: {  	_ =	swait.ge [sflag:s17], $0x2700  }
0x71: {  	s22 =	sadd.s32 $0x1, s22;
	[sflag:s17] =	ssyncset.done $0x0  }
0x72: {  	s23 =	sshrl.u32 @!p0 s10, $0x3;
	p1 =	sne.s32 s22, s13;
	[sflag:s17] =	ssyncadd.s32 $0xFFFFD900  }
0x73: {  	[hbm:s12], [sflag:s20] =	dma.local @!p0 [spmem:s23], $0x100  }
.Ltmp2:
0x74: {  	_ = 	snop;
	(pc) =	sbr.rel @p1 .LBB2_1-.Ltmp2, $4  }
0x75: {  	s23 =	simm.s32 @!p0 $0x2  }
0x76: {  	_ =	swait.ge @!p0 [sflag:s23], $0x100  }
0x77: {  	[sflag:s23] =	ssyncset.done @!p0 $0x0  }
0x78: {  	[sflag:s23] =	ssyncadd.s32 @!p0 $0xFFFFFF00  }
0x79: {  	_ =	sfence.sel $0x180000  }
0x7a: {  	[bflag:$0x0] =	sbarrier.arrive $0xFFFF  }
0x7b: {  	p0 =	sne.s32 s0, $0x0;
	_ =	strace $0x90000047  }
0x7c: {  	s0 =	sadd.s32 @!p0 $0x100000, s1;
	[bflag:$0x2] =	sbarrier.arrive $0xFFFF  }
0x7d: {  	[sflag:s0] =	ssyncadd.tile.s32 @!p0 $0x1;
	_ =	shalt  }
.Lfunc_end2:
_tile_overlayer_lowered:
.L_overlay_start_2:
0x7e: {  	(tag) =	ssettag $0x2  }
0x7f: {  	s0 =	rddreg [dreg:$0x0];
	s2 =	stileid.u32  }
0x80: {  	s1 =	rddreg [dreg:$0x1];
	p0 =	sne.s32 s2, $0x0  }
0x81: {  	s3 =	rddreg [dreg:$0x2];
	[bflag:$0x3] =	sbarrier.arrive $0xFFFF;
	s2 =	simm.s32 @!p0 $0x1C02  }
0x82: {  	[timem:s3], [sflag:s2] =	dma.local @!p0 [hbm:s0], s1  }
0x83: {  	s0 =	simm.s32 @!p0 $0x2  }
0x84: {  	_ =	swait.ge @!p0 [sflag:s0], s1  }
0x85: {  	s1 =	ssub.s32 @!p0 $0x0, s1;
	[sflag:s0] =	ssyncset.done @!p0 $0x0  }
0x86: {  	[sflag:s0] =	ssyncadd.s32 @!p0 s1  }
0x87: {  	[bflag:$0x3] =	sbarrier.arrive $0xFFFF  }
0x88: {  	_ =	shalt  }

// kernel: kernel.15.cloned.1.call-start
scs
__scs_entry_jumppad:
0x0: {  	(pc) =	sbr.rel $0x88, $3  }
0x1: {  	(tag) =	ssettag $0x0;
	lr =	simm.s32 $0x1  }
0x2: {  	[smem:$0x3F90] =	sst lr;
	_ =	strace $0xD0000000  }
0x3: {  	_ = 	snop  }
0x4: {  	_ = 	snop  }
0x5: {  	_ = 	snop  }
0x6: {  	_ = 	snop  }
0x7: {  	_ = 	snop  }
__scs_overlays_trampoline_lowered:
0x8: {  	[smem:$0x3F9F] =	sst s0  }
0x9: {  	[smem:$0x3FA0] =	sst s1  }
0xa: {  	[smem:$0x3FA1] =	sst s2  }
0xb: {  	[smem:$0x3FA2] =	sst s3  }
0xc: {  	[smem:$0x3FA3] =	sst s4  }
0xd: {  	[smem:$0x3FA4] =	sst s5  }
0xe: {  	[smem:$0x3FA5] =	sst s6  }
0xf: {  	[smem:$0x3FA6] =	sst s7  }
0x10: {  	[smem:$0x3FA7] =	sst s8  }
0x11: {  	[smem:$0x3FA8] =	sst s9;
	s0 =	simm.s32 @!p0 $0x0  }
0x12: {  	s1 =	sld [smem:$0x3F8E];
	s0 =	simm.s32 @p0 $0x1  }
0x13: {  	[smem:$0x3FA9] =	sst s0;
	s0 =	simm.s32 @!p1 $0x0  }
0x14: {  	s2 =	sld [smem:$0x3F8D];
	s0 =	simm.s32 @p1 $0x1  }
0x15: {  	[smem:$0x3FAA] =	sst s0;
	s0 =	simm.s32 @!p2 $0x0  }
0x16: {  	s3 =	sld [smem:$0x3FDB];
	s0 =	simm.s32 @p2 $0x1  }
0x17: {  	s4 =	simm.s32 $0x1BF5;
	[smem:$0x3FAC] =	sst s0  }
0x18: {  	s0 =	sld [smem:$0x3F8F];
	_ =	swait.ge [sflag:s4], $0x0  }
0x19: {  	s7 =	sld [smem:$0x3F90]  }
0x1a: {  	s8 =	sadd.s32 $0xFFFFE003, lr  }
0x1b: {  	s9 =	sadd.s32 $0xFFFFFEF7, lr;
	s5 =	simm.s32 $0xFFFFFFFF;
	p2 =	slt.u32 s8, $0xFFFFF086  }
0x1c: {  	p1 =	slt.u32 s9, $0xF7A;
	s5 =	simm.s32 @!p2 $0x0  }
0x1d: {  	s5 =	simm.s32 @p1 $0x1;
	p0 =	seq.s32 s7, s2  }
0x1e: {  	s7 =	smul.u32 @!p0 $0xF7A, s2;
	p2 =	seq.s32 @!p0 s5, $0x0  }
0x1f: {  	s9 =	smul.u32 $0xF7A, s1;
	s8 =	simm.s32 @!p0 $0x1BF5;
	p2 =	por !p2, p0  }
0x20: {  	[sflag:s8] =	ssyncset.s32 @!p0 $0xFFFFF086;
	s6 =	sadd.s32 @!p0 s3, s7;
	s7 =	simm.s32 @!p0 $0x108  }
0x21: {  	s3 =	sadd.s32 s3, s9;
	s6 =	sadd.s32 @!p0 $0x88, s6;
	s7 =	simm.s32 @p2 $0x1082  }
0x22: {  	[simem:s7], [sflag:s8] =	dma.local @!p0 [hbm:s6], $0xF7A  }
0x23: {  	s9 =	sor.u32 $0xD0000000, s2;
	s6 =	simm.s32 $0x108;
	_ =	swait.ge @!p0 [sflag:s8], $0x0  }
0x24: {  	s3 =	sadd.s32 $0x88, s3;
	s6 =	simm.s32 @!p1 $0x1082;
	[sflag:s4] =	ssyncset.s32 $0xFFFFF086  }
0x25: {  	[simem:s6], [sflag:s4] =	dma.local [hbm:s3], $0xF7A  }
0x26: {  	[smem:$0x3F90] =	sst s1;
	(tag) =	ssettag s2;
	_ =	strace s9  }
0x27: {  	s1 =	sld [smem:$0x3FA0]  }
0x28: {  	s2 =	sld [smem:$0x3FA1]  }
0x29: {  	s4 =	sld [smem:$0x3FA3]  }
0x2a: {  	p0 =	seq.s32 s5, $0x0;
	s5 =	sld [smem:$0x3FA4]  }
0x2b: {  	s6 =	sld [smem:$0x3FA5]  }
0x2c: {  	s7 =	sld [smem:$0x3FA6]  }
0x2d: {  	s3 =	simm.s32 $0x108;
	s8 =	sld [smem:$0x3FA7]  }
0x2e: {  	s3 =	simm.s32 @!p0 $0x1082;
	s9 =	sld [smem:$0x3FA8]  }
0x2f: {  	lr =	sadd.s32 s0, s3;
	s0 =	sld [smem:$0x3F9F]  }
0x30: {  	s3 =	sld [smem:$0x3FA2]  }
0x31: {  	[smem:$0x3FAB] =	sst s10  }
0x32: {  	s10 =	sld [smem:$0x3FA9];
	_ =	sdelay $0x3  }
0x33: {  	p0 =	seq.s32 s10, $0x1;
	s10 =	sld [smem:$0x3FAB];
	_ =	sdelay $0x3  }
0x34: {  	[smem:$0x3FAB] =	sst s10  }
0x35: {  	s10 =	sld [smem:$0x3FAA];
	_ =	sdelay $0x3  }
0x36: {  	p1 =	seq.s32 s10, $0x1;
	s10 =	sld [smem:$0x3FAB];
	_ =	sdelay $0x3  }
0x37: {  	[smem:$0x3FAB] =	sst s10  }
0x38: {  	s10 =	sld [smem:$0x3FAC]  }
0x39: {  	_ = 	snop;
	(pc) =	sbr.ind lr, $3  }
0x3a: {  	_ = 	snop  }
0x3b: {  	_ = 	snop  }
0x3c: {  	p2 =	seq.s32 s10, $0x1;
	s10 =	sld [smem:$0x3FAB]  }
0x3d: {  	_ =	shalt  }
0x3e: {  	_ =	shalt  }
0x3f: {  	_ =	shalt  }
0x40: {  	_ =	shalt  }
0x41: {  	_ =	shalt  }
0x42: {  	_ =	shalt  }
0x43: {  	_ =	shalt  }
0x44: {  	_ =	shalt  }
0x45: {  	_ =	shalt  }
0x46: {  	_ =	shalt  }
0x47: {  	_ =	shalt  }
0x48: {  	_ =	shalt  }
0x49: {  	_ =	shalt  }
0x4a: {  	_ =	shalt  }
0x4b: {  	_ =	shalt  }
0x4c: {  	_ =	shalt  }
0x4d: {  	_ =	shalt  }
0x4e: {  	_ =	shalt  }
0x4f: {  	_ =	shalt  }
0x50: {  	_ =	shalt  }
0x51: {  	_ =	shalt  }
0x52: {  	_ =	shalt  }
0x53: {  	_ =	shalt  }
0x54: {  	_ =	shalt  }
0x55: {  	_ =	shalt  }
0x56: {  	_ =	shalt  }
0x57: {  	_ =	shalt  }
0x58: {  	_ =	shalt  }
0x59: {  	_ =	shalt  }
0x5a: {  	_ =	shalt  }
0x5b: {  	_ =	shalt  }
0x5c: {  	_ =	shalt  }
0x5d: {  	_ =	shalt  }
0x5e: {  	_ =	shalt  }
0x5f: {  	_ =	shalt  }
0x60: {  	_ =	shalt  }
0x61: {  	_ =	shalt  }
0x62: {  	_ =	shalt  }
0x63: {  	_ =	shalt  }
0x64: {  	_ =	shalt  }
0x65: {  	_ =	shalt  }
0x66: {  	_ =	shalt  }
0x67: {  	_ =	shalt  }
0x68: {  	_ =	shalt  }
0x69: {  	_ =	shalt  }
0x6a: {  	_ =	shalt  }
0x6b: {  	_ =	shalt  }
0x6c: {  	_ =	shalt  }
0x6d: {  	_ =	shalt  }
0x6e: {  	_ =	shalt  }
0x6f: {  	_ =	shalt  }
0x70: {  	_ =	shalt  }
0x71: {  	_ =	shalt  }
0x72: {  	_ =	shalt  }
0x73: {  	_ =	shalt  }
0x74: {  	_ =	shalt  }
0x75: {  	_ =	shalt  }
0x76: {  	_ =	shalt  }
0x77: {  	_ =	shalt  }
0x78: {  	_ =	shalt  }
0x79: {  	_ =	shalt  }
0x7a: {  	_ =	shalt  }
0x7b: {  	_ =	shalt  }
0x7c: {  	_ =	shalt  }
0x7d: {  	_ =	shalt  }
0x7e: {  	_ =	shalt  }
0x7f: {  	_ =	shalt  }
0x80: {  	_ =	shalt  }
0x81: {  	_ =	shalt  }
0x82: {  	_ =	shalt  }
0x83: {  	_ =	shalt  }
0x84: {  	_ =	shalt  }
0x85: {  	_ =	shalt  }
0x86: {  	_ =	shalt  }
0x87: {  	_ =	shalt  }
.Lfunc_end0:
.L_simem_size_0:
called_computation.1_lowered:
.L_overlay_start_0:
0x88: {  	s2 =	sld [smem:$0x3FD9]  }
0x89: {  	s3 =	sld [smem:$0x3FFE];
	_ =	sdelay $0x1  }
0x8a: {  	s1 =	srdreg.scid  }
0x8b: {  	s0 =	sand.u32 $0x1, s1  }
0x8c: {  	s16 =	sshll.u32 s0, $0xA;
	s2 =	sadd.s32 s3, s2  }
0x8d: {  	s2 =	sadd.s32 s2, s16  }
0x8e: {  	[smem:$0x3FB7] =	sst s2  }
0x8f: {  	_ = 	snop  }
0x90: {  	(tm) =	ssettm $0x1  }
0x91: {  	s17 =	sld [smem:$0x3FFB];
	_ =	sdelay $0x3  }
0x92: {  	_ =	strace s17  }
0x93: {  	s2 =	sld [smem:$0x3FFC];
	_ =	sdelay $0x3  }
0x94: {  	_ =	strace s2  }
0x95: {  	s2 =	sld [smem:$0x3FFD];
	_ =	sdelay $0x3  }
0x96: {  	_ =	strace s2  }
0x97: {  	_ =	strace $0x8FFFFFFF  }
0x98: {  	s18 =	sld [smem:$0x3FDB];
	_ =	sdelay $0x1  }
0x99: {  	s19 =	simm.s32 $_scs_section_size  }
0x9a: {  	s4 =	simm.s32 $_size__tile_overlayer_lowered;
	s5 =	simm.s32 $_tile_overlayer_lowered  }
0x9b: {  	s22 =	simm.s32 $0x1BFF;
	s21 =	sshll.u32 s5, $0x1;
	s2 =	sadd.s32 s19, s18  }
0x9c: {  	s6 =	simm.s32 $0x0;
	s20 =	sshll.u32 s4, $0x1;
	s4 =	sadd.s32 s21, s2  }
0x9d: {  	[timem:s6], [sflag:s22] =	dma.local [hbm:s4], s20  }
0x9e: {  	_ =	swait.ge [sflag:s22], s20  }
0x9f: {  	s3 =	ssub.s32 $0x0, s20;
	[sflag:s22] =	ssyncset.done $0x0  }
0xa0: {  	[sflag:s22] =	ssyncadd.s32 s3;
	_ =	sdelay $0x1  }
0xa1: {  	s23 =	simm.s32 $0x1B8B  }
0xa2: {  	_ =	swait.ge [sflag:s23], $0x1  }
0xa3: {  	[sflag:s23] =	ssyncset.done $0x0  }
0xa4: {  	s25 =	simm.s32 $0x1B8E;
	s24 =	sld [smem:$0x3FFE];
	[sflag:s23] =	ssyncadd.s32 $0xFFFFFFFF  }
0xa5: {  	s26 =	simm.s32 $execute0_lowered;
	[smem:$0x3FD2] =	sst s25  }
0xa6: {  	s4 =	sshll.u32 s26, $0x1;
	_ =	strace $0x80000049;
	[dreg:$0x1] =	wrdreg $0xFFFFFFFF  }
0xa7: {  	s28 =	simm.s32 $_size_execute0_lowered;
	s2 =	sadd.s32 s2, s4;
	[dreg:$0x0] =	wrdreg $0x0  }
0xa8: {  	s4 =	sshll.u32 s28, $0x1;
	[dreg:$0x2] =	wrdreg s2  }
0xa9: {  	[dreg:$0x3] =	wrdreg s4  }
0xaa: {  	[dreg:$0x4] =	wrdreg $0xC0  }
0xab: {  	_ =	task [dreg:s6], $0x5FFFF  }
0xac: {  	[dreg:$0x1] =	wrdreg $0xFFFFFFFF  }
0xad: {  	[dreg:$0x0] =	wrdreg $0x60  }
0xae: {  	[dreg:$0x2] =	wrdreg s24  }
0xaf: {  	[dreg:$0x3] =	wrdreg $0x41000  }
0xb0: {  	[dreg:$0x4] =	wrdreg $0x9  }
0xb1: {  	_ =	task.clear_ibuf [dreg:s6], $0x5FFFF;
	_ =	strace $0x90000049  }
0xb2: {  	s29 =	simm.s32 $0x9;
	_ =	strace $0x8000004B  }
0xb3: {  	_ =	swait.ge [sflag:s29], $0x1  }
0xb4: {  	[sflag:s29] =	ssyncadd.s32 $0xFFFFFFFF  }
0xb5: {  	_ =	strace $0x9000004B  }
0xb6: {  	_ =	sfence  }
0xb7: {  	s30 =	sld [smem:$0x0];
	_ =	sdelay $0x2  }
0xb8: {  	s31 =	sshll.u32 s1, $0xD;
	s1 =	sshrl.u32 s1, $0x2  }
0xb9: {  	s3 =	sand.u32 $0x4000, s31;
	s1 =	sadd.s32 s1, s30  }
0xba: {  	s0 =	sor.u32 s3, s0;
	s1 =	sshll.u32 s1, $0x11  }
0xbb: {  	s0 =	sor.u32 s1, s0  }
0xbc: {  	s0 =	sadd.s32 $0x8F2B, s0  }
0xbd: {  	[sflag:s0] =	ssyncadd.remote.s32 $0x1  }
0xbe: {  	_ =	sfence.sel $0xFFFF  }
0xbf: {  	[dreg:$0x0] =	wrdreg $0xFFFFFFFF;
	(pc) =	sbr.abs _section_cstart, $3  }
0xc0: {  	[dreg:$0x1] =	wrdreg $0xFFFFFFFF  }
0xc1: {  	_ =	task.clear_ibuf [dreg:s6], $0x2FFFF;
	_ =	strace $0x9FFFFFFF  }
0xc2: {  	(tm) =	ssettm $0x7FFFFFFF  }
0xc3: {  	_ =	shalt  }
tec
execute0_lowered:
.L_overlay_start_1:
0x0: {  	(tag) =	ssettag $0x1  }
0x1: {  	s5 =	rddreg [dreg:$0x0];
	s1 =	srdreg.scid  }
0x2: {  	s0 =	stileid.u32;
	s2 =	rddreg [dreg:$0x1]  }
0x3: {  	s3 =	simm.s32 $0x0;
	s17 =	simm.s32 $0x2;
	s4 =	smul.u32 $0x2800, s0  }
0x4: {  	s18 =	simm.s32 $0x80;
	s19 =	simm.s32 $0x1;
	s8 =	smul.u32 $0x500, s0  }
0x5: {  	s7 =	sand.u32 $0x1, s1;
	s1 =	rddreg [dreg:$0x2];
	s9 =	smul.u32 $0x4E000, s0  }
0x6: {  	s22 =	simm.s32 $0x0;
	[smem:$0x7FF] =	sst s3;
	s10 =	smul.u32 $0x2700, s0  }
0x7: {  	s11 =	sadd.s32 $0x60C00, s5;
	p0 =	sne.s32 s0, $0xF;
	s6 =	smul.u32 $0x28000, s7  }
0x8: {  	s20 =	sshll.u32 s0, $0x6;
	_ =	strace $0x8000004A;
	s31 =	smul.u32 $0x138800, s7  }
0x9: {  	s28 =	ssub.s32 $0x2, s7;
	s12 =	smul.u32 $0x27100, s7;
	s20 =	sor.u32 $0x1C02, s20  }
0xa: {  	s15 =	sadd.s32 s8, s5;
	s29 =	sshrl.u32 s9, $0x2;
	s30 =	sshrl.u32 s28, $0x1  }
0xb: {  	s6 =	sadd.s32 s4, s6;
	s4 =	sadd.s32 $0x12A00, s5;
	s13 =	ssub.s32 s28, s30  }
0xc: {  	s16 =	sshrl.u32 s31, $0x3;
	s12 =	sadd.s32 s10, s12;
	s10 =	sadd.s32 $0x138000, s2  }
0xd: {  	s15 =	sadd.s32 $0xDA00, s15;
	s6 =	sshrl.u32 s6, $0x3;
	s16 =	sadd.s32 s11, s16  }
0xe: {  	s11 =	sadd.s32 s11, s12;
	s13 =	smax.u32 s13, $0x1;
	s14 =	sadd.s32 s6, s5  }
0xf: {  	s5 =	sadd.s32 s29, s2;
	s12 =	sadd.s32 $0x27000, s16;
	s16 =	simm.s32 $0x100  }
0x10: {  	s6 =	sadd.s32 $0x4000, s5;
	s7 =	sadd.s32 $0x8000, s5;
	s8 =	sadd.s32 $0xC000, s5  }
0x11: {  	v0 =	vimm.f32 $0.0e+00;
	s9 =	sadd.s32 $0x10000, s5;
	s14 =	sadd.s32 $0x3A00, s14;
	s21 =	sshrl.u32 s5, $0x3  }
.LBB2_1:
0x12: {  	s23 =	simm.s32 $0x0;
	s24 =	simm.s32 $0x200  }
.LBB2_2:
0x13: {  	p1 =	sne.s32 s24, $0xFE00;
	[tilespmem:s23+$0x170] =	vst v0  }
0x14: {  	[tilespmem:s23+$0x100] =	vst v0  }
0x15: {  	[tilespmem:s23+$0x110] =	vst v0  }
.Ltmp0:
0x16: {  	[tilespmem:s23+$0x120] =	vst v0;
	(pc) =	sbr.rel @p1 .LBB2_2-.Ltmp0, $4  }
0x17: {  	[tilespmem:s23+$0x130] =	vst v0  }
0x18: {  	[tilespmem:s23+$0x140] =	vst v0  }
0x19: {  	[tilespmem:s23+$0x150] =	vst v0  }
0x1a: {  	[tilespmem:s23+$0x160] =	vst v0;
	s23 =	sshra.s32 s24, $0x2;
	s24 =	sadd.s32 $0x200, s24  }
0x1b: {  	[tilespmem:s23+$0x170] =	vst v0  }
0x1c: {  	[tilespmem:s23+$0x100] =	vst v0  }
0x1d: {  	[tilespmem:s23+$0x110] =	vst v0  }
0x1e: {  	[tilespmem:s23+$0x120] =	vst v0  }
0x1f: {  	[tilespmem:s23+$0x130] =	vst v0  }
0x20: {  	[tilespmem:s23+$0x140] =	vst v0  }
0x21: {  	[tilespmem:s23+$0x150] =	vst v0  }
0x22: {  	[tilespmem:s23+$0x160] =	vst v0  }
0x23: {  	[spmem:s5] =	stream.linear.scatter [tilespmem:s16], [sflag:$0x2], $0x4000, $0x38;
	[tilespmem:$0x179C0] =	vst v63  }
0x24: {  	_ =	swait.ge [sflag:s17], $0x4000  }
0x25: {  	[sflag:s17] =	ssyncset.done $0x0  }
0x26: {  	[sflag:s17] =	ssyncadd.s32 $0xFFFFC000  }
0x27: {  	[spmem:s6] =	stream.linear.scatter [tilespmem:s16], [sflag:$0x2], $0x4000, $0x38;
	[tilespmem:$0x179C0] =	vst v63  }
0x28: {  	_ =	swait.ge [sflag:s17], $0x4000  }
0x29: {  	[sflag:s17] =	ssyncset.done $0x0  }
0x2a: {  	[sflag:s17] =	ssyncadd.s32 $0xFFFFC000  }
0x2b: {  	[spmem:s7] =	stream.linear.scatter [tilespmem:s16], [sflag:$0x2], $0x4000, $0x38;
	[tilespmem:$0x179C0] =	vst v63  }
0x2c: {  	_ =	swait.ge [sflag:s17], $0x4000  }
0x2d: {  	[sflag:s17] =	ssyncset.done $0x0  }
0x2e: {  	[sflag:s17] =	ssyncadd.s32 $0xFFFFC000  }
0x2f: {  	[spmem:s8] =	stream.linear.scatter [tilespmem:s16], [sflag:$0x2], $0x4000, $0x38;
	[tilespmem:$0x179C0] =	vst v63  }
0x30: {  	_ =	swait.ge [sflag:s17], $0x4000  }
0x31: {  	[sflag:s17] =	ssyncset.done $0x0  }
0x32: {  	[sflag:s17] =	ssyncadd.s32 $0xFFFFC000  }
0x33: {  	[spmem:s9] =	stream.linear.scatter [tilespmem:s16], [sflag:$0x2], $0x3800, $0x38;
	[tilespmem:$0x179C0] =	vst v63  }
0x34: {  	_ =	swait.ge [sflag:s17], $0x3800  }
0x35: {  	[sflag:s17] =	ssyncset.done $0x0  }
0x36: {  	s23 =	simm.s32 @!p0 $0x100;
	[sflag:s17] =	ssyncadd.s32 $0xFFFFC800  }
0x37: {  	[spmem:s10] =	stream.linear.scatter @!p0 [tilespmem:s23], [sflag:$0x2], $0x800, $0x38;
	[tilespmem:$0x179C0] =	vst v63  }
0x38: {  	s23 =	simm.s32 @!p0 $0x2  }
0x39: {  	_ =	swait.ge @!p0 [sflag:s23], $0x800  }
0x3a: {  	[sflag:s23] =	ssyncset.done @!p0 $0x0  }
0x3b: {  	[sflag:s23] =	ssyncadd.s32 @!p0 $0xFFFFF800  }
0x3c: {  	s30 =	sadd.s32 $0x0, s14;
	[bflag:$0x0] =	sbarrier.arrive $0xFFFF  }
0x3d: {  	[tilespmem:s3], [sflag:$0x2] =	stream.linear.gather [hbm4b:s30+s3], $0x80, $0x38;
	[tilespmem:$0x179C0] =	vst v63  }
0x3e: {  	_ =	swait.ge [sflag:s17], $0x80  }
0x3f: {  	[sflag:s17] =	ssyncset.done $0x0  }
0x40: {  	s31 =	sadd.s32 $0x0, s15;
	[sflag:s17] =	ssyncadd.s32 $0xFFFFFF80  }
0x41: {  	[tilespmem:s18], [sflag:$0x2] =	stream.linear.gather [hbm4b:s31+s3], $0x80, $0x38;
	[tilespmem:$0x179C0] =	vst v63  }
0x42: {  	_ =	swait.ge [sflag:s17], $0x80  }
0x43: {  	[sflag:s17] =	ssyncset.done $0x0  }
0x44: {  	[sflag:s17] =	ssyncadd.s32 $0xFFFFFF80  }
0x45: {  	[tilespmem:s16], [sflag:$0x1] =	stream.indirect.gather [hbm4b:s4+s18], $0x80, s3, s18, $0xb8;
	[tilespmem:$0x179C0] =	vst v63  }
0x46: {  	_ =	swait.ge [sflag:s19], $0x4000  }
0x47: {  	[sflag:s19] =	ssyncset.done $0x0  }
0x48: {  	[sflag:s19] =	ssyncadd.s32 $0xFFFFC000  }
0x49: {  	[spmem:s2] =	stream.indirect.scatter.add.f32 [tilespmem:s16], [sflag:$0x2], $0x80, s18, s18, $0xb8;
	[tilespmem:$0x179C0] =	vst v63  }
0x4a: {  	_ =	swait.ge [sflag:s17], $0x4000  }
0x4b: {  	s24 =	simm.s32 $0x20;
	s23 =	simm.s32 $0x10;
	[sflag:s17] =	ssyncset.done $0x0  }
.LBB2_4:
0x4c: {  	s25 =	sadd.s32 s23, s14  }
0x4d: {  	[sflag:s17] =	ssyncadd.s32 $0xFFFFC000;
	s26 =	smov.u32 s24;
	s28 =	sadd.s32 $0x10, s24  }
0x4e: {  	[tilespmem:s3], [sflag:$0x2] =	stream.linear.gather [hbm4b:s25+s3], $0x80, $0x38;
	[tilespmem:$0x179C0] =	vst v63  }
0x4f: {  	p1 =	sne.s32 s24, $0x4F0;
	_ =	swait.ge [sflag:s17], $0x80  }
0x50: {  	[sflag:s17] =	ssyncset.done $0x0  }
0x51: {  	s24 =	sadd.s32 s23, s15;
	s23 =	smov.u32 s26;
	[sflag:s17] =	ssyncadd.s32 $0xFFFFFF80  }
0x52: {  	[tilespmem:s18], [sflag:$0x2] =	stream.linear.gather [hbm4b:s24+s3], $0x80, $0x38;
	[tilespmem:$0x179C0] =	vst v63  }
0x53: {  	_ =	swait.ge [sflag:s17], $0x80  }
0x54: {  	[sflag:s17] =	ssyncset.done $0x0  }
0x55: {  	[sflag:s17] =	ssyncadd.s32 $0xFFFFFF80  }
0x56: {  	[tilespmem:s16], [sflag:$0x1] =	stream.indirect.gather [hbm4b:s4+s18], $0x80, s3, s18, $0xb8;
	[tilespmem:$0x179C0] =	vst v63  }
0x57: {  	_ =	swait.ge [sflag:s19], $0x4000  }
.Ltmp1:
0x58: {  	[sflag:s19] =	ssyncset.done $0x0;
	(pc) =	sbr.rel @p1 .LBB2_4-.Ltmp1, $4  }
0x59: {  	[sflag:s19] =	ssyncadd.s32 $0xFFFFC000  }
0x5a: {  	[spmem:s2] =	stream.indirect.scatter.add.f32 [tilespmem:s16], [sflag:$0x2], $0x80, s18, s18, $0xb8;
	[tilespmem:$0x179C0] =	vst v63  }
0x5b: {  	_ =	swait.ge [sflag:s17], $0x4000  }
0x5c: {  	s24 =	smov.u32 s28;
	[sflag:s17] =	ssyncset.done $0x0  }
0x5d: {  	s24 =	sadd.s32 s23, s14;
	[sflag:s17] =	ssyncadd.s32 $0xFFFFC000  }
0x5e: {  	[tilespmem:s3], [sflag:$0x2] =	stream.linear.gather [hbm4b:s24+s3], $0x80, $0x38;
	[tilespmem:$0x179C0] =	vst v63  }
0x5f: {  	_ =	swait.ge [sflag:s17], $0x80  }
0x60: {  	[sflag:s17] =	ssyncset.done $0x0  }
0x61: {  	s31 =	sadd.s32 s23, s15;
	[sflag:s17] =	ssyncadd.s32 $0xFFFFFF80  }
0x62: {  	[tilespmem:s18], [sflag:$0x2] =	stream.linear.gather [hbm4b:s31+s3], $0x80, $0x38;
	[tilespmem:$0x179C0] =	vst v63  }
0x63: {  	_ =	swait.ge [sflag:s17], $0x80  }
0x64: {  	[sflag:s17] =	ssyncset.done $0x0  }
0x65: {  	[sflag:s17] =	ssyncadd.s32 $0xFFFFFF80  }
0x66: {  	[tilespmem:s16], [sflag:$0x1] =	stream.indirect.gather [hbm4b:s4+s18], $0x80, s3, s18, $0xb8;
	[tilespmem:$0x179C0] =	vst v63  }
0x67: {  	_ =	swait.ge [sflag:s19], $0x4000  }
0x68: {  	[sflag:s19] =	ssyncset.done $0x0  }
0x69: {  	[sflag:s19] =	ssyncadd.s32 $0xFFFFC000  }
0x6a: {  	[spmem:s2] =	stream.indirect.scatter.add.f32 [tilespmem:s16], [sflag:$0x2], $0x80, s18, s18, $0xb8;
	[tilespmem:$0x179C0] =	vst v63  }
0x6b: {  	_ =	swait.ge [sflag:s17], $0x4000  }
0x6c: {  	[sflag:s17] =	ssyncset.done $0x0  }
0x6d: {  	[sflag:s17] =	ssyncadd.s32 $0xFFFFC000  }
0x6e: {  	[bflag:$0x0] =	sbarrier.arrive $0xFFFF  }
0x6f: {  	[hbm:s11], [sflag:s20] =	dma.local [spmem:s21], $0x2700  }
0x70: {  	_ =	swait.ge [sflag:s17], $0x2700  }
0x71: {  	s22 =	sadd.s32 $0x1, s22;
	[sflag:s17] =	ssyncset.done $0x0  }
0x72: {  	s23 =	sshrl.u32 @!p0 s10, $0x3;
	p1 =	sne.s32 s22, s13;
	[sflag:s17] =	ssyncadd.s32 $0xFFFFD900  }
0x73: {  	[hbm:s12], [sflag:s20] =	dma.local @!p0 [spmem:s23], $0x100  }
.Ltmp2:
0x74: {  	_ = 	snop;
	(pc) =	sbr.rel @p1 .LBB2_1-.Ltmp2, $4  }
0x75: {  	s23 =	simm.s32 @!p0 $0x2  }
0x76: {  	_ =	swait.ge @!p0 [sflag:s23], $0x100  }
0x77: {  	[sflag:s23] =	ssyncset.done @!p0 $0x0  }
0x78: {  	[sflag:s23] =	ssyncadd.s32 @!p0 $0xFFFFFF00  }
0x79: {  	_ =	sfence.sel $0x180000  }
0x7a: {  	[bflag:$0x0] =	sbarrier.arrive $0xFFFF  }
0x7b: {  	p0 =	sne.s32 s0, $0x0;
	_ =	strace $0x9000004A  }
0x7c: {  	s0 =	sadd.s32 @!p0 $0x100000, s1;
	[bflag:$0x2] =	sbarrier.arrive $0xFFFF  }
0x7d: {  	[sflag:s0] =	ssyncadd.tile.s32 @!p0 $0x1;
	_ =	shalt  }
.Lfunc_end2:
_tile_overlayer_lowered:
.L_overlay_start_2:
0x7e: {  	(tag) =	ssettag $0x2  }
0x7f: {  	s0 =	rddreg [dreg:$0x0];
	s2 =	stileid.u32  }
0x80: {  	s1 =	rddreg [dreg:$0x1];
	p0 =	sne.s32 s2, $0x0  }
0x81: {  	s3 =	rddreg [dreg:$0x2];
	[bflag:$0x3] =	sbarrier.arrive $0xFFFF;
	s2 =	simm.s32 @!p0 $0x1C02  }
0x82: {  	[timem:s3], [sflag:s2] =	dma.local @!p0 [hbm:s0], s1  }
0x83: {  	s0 =	simm.s32 @!p0 $0x2  }
0x84: {  	_ =	swait.ge @!p0 [sflag:s0], s1  }
0x85: {  	s1 =	ssub.s32 @!p0 $0x0, s1;
	[sflag:s0] =	ssyncset.done @!p0 $0x0  }
0x86: {  	[sflag:s0] =	ssyncadd.s32 @!p0 s1  }
0x87: {  	[bflag:$0x3] =	sbarrier.arrive $0xFFFF  }
0x88: {  	_ =	shalt  }

// kernel: kernel.18.cloned.1.call-start
scs
__scs_entry_jumppad:
0x0: {  	(pc) =	sbr.rel $0x88, $3  }
0x1: {  	(tag) =	ssettag $0x0;
	lr =	simm.s32 $0x1  }
0x2: {  	[smem:$0x3F90] =	sst lr;
	_ =	strace $0xD0000000  }
0x3: {  	_ = 	snop  }
0x4: {  	_ = 	snop  }
0x5: {  	_ = 	snop  }
0x6: {  	_ = 	snop  }
0x7: {  	_ = 	snop  }
__scs_overlays_trampoline_lowered:
0x8: {  	[smem:$0x3F9F] =	sst s0  }
0x9: {  	[smem:$0x3FA0] =	sst s1  }
0xa: {  	[smem:$0x3FA1] =	sst s2  }
0xb: {  	[smem:$0x3FA2] =	sst s3  }
0xc: {  	[smem:$0x3FA3] =	sst s4  }
0xd: {  	[smem:$0x3FA4] =	sst s5  }
0xe: {  	[smem:$0x3FA5] =	sst s6  }
0xf: {  	[smem:$0x3FA6] =	sst s7  }
0x10: {  	[smem:$0x3FA7] =	sst s8  }
0x11: {  	[smem:$0x3FA8] =	sst s9;
	s0 =	simm.s32 @!p0 $0x0  }
0x12: {  	s1 =	sld [smem:$0x3F8E];
	s0 =	simm.s32 @p0 $0x1  }
0x13: {  	[smem:$0x3FA9] =	sst s0;
	s0 =	simm.s32 @!p1 $0x0  }
0x14: {  	s2 =	sld [smem:$0x3F8D];
	s0 =	simm.s32 @p1 $0x1  }
0x15: {  	[smem:$0x3FAA] =	sst s0;
	s0 =	simm.s32 @!p2 $0x0  }
0x16: {  	s3 =	sld [smem:$0x3FDB];
	s0 =	simm.s32 @p2 $0x1  }
0x17: {  	s4 =	simm.s32 $0x1BF5;
	[smem:$0x3FAC] =	sst s0  }
0x18: {  	s0 =	sld [smem:$0x3F8F];
	_ =	swait.ge [sflag:s4], $0x0  }
0x19: {  	s7 =	sld [smem:$0x3F90]  }
0x1a: {  	s8 =	sadd.s32 $0xFFFFE003, lr  }
0x1b: {  	s9 =	sadd.s32 $0xFFFFFEF7, lr;
	s5 =	simm.s32 $0xFFFFFFFF;
	p2 =	slt.u32 s8, $0xFFFFF086  }
0x1c: {  	p1 =	slt.u32 s9, $0xF7A;
	s5 =	simm.s32 @!p2 $0x0  }
0x1d: {  	s5 =	simm.s32 @p1 $0x1;
	p0 =	seq.s32 s7, s2  }
0x1e: {  	s7 =	smul.u32 @!p0 $0xF7A, s2;
	p2 =	seq.s32 @!p0 s5, $0x0  }
0x1f: {  	s9 =	smul.u32 $0xF7A, s1;
	s8 =	simm.s32 @!p0 $0x1BF5;
	p2 =	por !p2, p0  }
0x20: {  	[sflag:s8] =	ssyncset.s32 @!p0 $0xFFFFF086;
	s6 =	sadd.s32 @!p0 s3, s7;
	s7 =	simm.s32 @!p0 $0x108  }
0x21: {  	s3 =	sadd.s32 s3, s9;
	s6 =	sadd.s32 @!p0 $0x88, s6;
	s7 =	simm.s32 @p2 $0x1082  }
0x22: {  	[simem:s7], [sflag:s8] =	dma.local @!p0 [hbm:s6], $0xF7A  }
0x23: {  	s9 =	sor.u32 $0xD0000000, s2;
	s6 =	simm.s32 $0x108;
	_ =	swait.ge @!p0 [sflag:s8], $0x0  }
0x24: {  	s3 =	sadd.s32 $0x88, s3;
	s6 =	simm.s32 @!p1 $0x1082;
	[sflag:s4] =	ssyncset.s32 $0xFFFFF086  }
0x25: {  	[simem:s6], [sflag:s4] =	dma.local [hbm:s3], $0xF7A  }
0x26: {  	[smem:$0x3F90] =	sst s1;
	(tag) =	ssettag s2;
	_ =	strace s9  }
0x27: {  	s1 =	sld [smem:$0x3FA0]  }
0x28: {  	s2 =	sld [smem:$0x3FA1]  }
0x29: {  	s4 =	sld [smem:$0x3FA3]  }
0x2a: {  	p0 =	seq.s32 s5, $0x0;
	s5 =	sld [smem:$0x3FA4]  }
0x2b: {  	s6 =	sld [smem:$0x3FA5]  }
0x2c: {  	s7 =	sld [smem:$0x3FA6]  }
0x2d: {  	s3 =	simm.s32 $0x108;
	s8 =	sld [smem:$0x3FA7]  }
0x2e: {  	s3 =	simm.s32 @!p0 $0x1082;
	s9 =	sld [smem:$0x3FA8]  }
0x2f: {  	lr =	sadd.s32 s0, s3;
	s0 =	sld [smem:$0x3F9F]  }
0x30: {  	s3 =	sld [smem:$0x3FA2]  }
0x31: {  	[smem:$0x3FAB] =	sst s10  }
0x32: {  	s10 =	sld [smem:$0x3FA9];
	_ =	sdelay $0x3  }
0x33: {  	p0 =	seq.s32 s10, $0x1;
	s10 =	sld [smem:$0x3FAB];
	_ =	sdelay $0x3  }
0x34: {  	[smem:$0x3FAB] =	sst s10  }
0x35: {  	s10 =	sld [smem:$0x3FAA];
	_ =	sdelay $0x3  }
0x36: {  	p1 =	seq.s32 s10, $0x1;
	s10 =	sld [smem:$0x3FAB];
	_ =	sdelay $0x3  }
0x37: {  	[smem:$0x3FAB] =	sst s10  }
0x38: {  	s10 =	sld [smem:$0x3FAC]  }
0x39: {  	_ = 	snop;
	(pc) =	sbr.ind lr, $3  }
0x3a: {  	_ = 	snop  }
0x3b: {  	_ = 	snop  }
0x3c: {  	p2 =	seq.s32 s10, $0x1;
	s10 =	sld [smem:$0x3FAB]  }
0x3d: {  	_ =	shalt  }
0x3e: {  	_ =	shalt  }
0x3f: {  	_ =	shalt  }
0x40: {  	_ =	shalt  }
0x41: {  	_ =	shalt  }
0x42: {  	_ =	shalt  }
0x43: {  	_ =	shalt  }
0x44: {  	_ =	shalt  }
0x45: {  	_ =	shalt  }
0x46: {  	_ =	shalt  }
0x47: {  	_ =	shalt  }
0x48: {  	_ =	shalt  }
0x49: {  	_ =	shalt  }
0x4a: {  	_ =	shalt  }
0x4b: {  	_ =	shalt  }
0x4c: {  	_ =	shalt  }
0x4d: {  	_ =	shalt  }
0x4e: {  	_ =	shalt  }
0x4f: {  	_ =	shalt  }
0x50: {  	_ =	shalt  }
0x51: {  	_ =	shalt  }
0x52: {  	_ =	shalt  }
0x53: {  	_ =	shalt  }
0x54: {  	_ =	shalt  }
0x55: {  	_ =	shalt  }
0x56: {  	_ =	shalt  }
0x57: {  	_ =	shalt  }
0x58: {  	_ =	shalt  }
0x59: {  	_ =	shalt  }
0x5a: {  	_ =	shalt  }
0x5b: {  	_ =	shalt  }
0x5c: {  	_ =	shalt  }
0x5d: {  	_ =	shalt  }
0x5e: {  	_ =	shalt  }
0x5f: {  	_ =	shalt  }
0x60: {  	_ =	shalt  }
0x61: {  	_ =	shalt  }
0x62: {  	_ =	shalt  }
0x63: {  	_ =	shalt  }
0x64: {  	_ =	shalt  }
0x65: {  	_ =	shalt  }
0x66: {  	_ =	shalt  }
0x67: {  	_ =	shalt  }
0x68: {  	_ =	shalt  }
0x69: {  	_ =	shalt  }
0x6a: {  	_ =	shalt  }
0x6b: {  	_ =	shalt  }
0x6c: {  	_ =	shalt  }
0x6d: {  	_ =	shalt  }
0x6e: {  	_ =	shalt  }
0x6f: {  	_ =	shalt  }
0x70: {  	_ =	shalt  }
0x71: {  	_ =	shalt  }
0x72: {  	_ =	shalt  }
0x73: {  	_ =	shalt  }
0x74: {  	_ =	shalt  }
0x75: {  	_ =	shalt  }
0x76: {  	_ =	shalt  }
0x77: {  	_ =	shalt  }
0x78: {  	_ =	shalt  }
0x79: {  	_ =	shalt  }
0x7a: {  	_ =	shalt  }
0x7b: {  	_ =	shalt  }
0x7c: {  	_ =	shalt  }
0x7d: {  	_ =	shalt  }
0x7e: {  	_ =	shalt  }
0x7f: {  	_ =	shalt  }
0x80: {  	_ =	shalt  }
0x81: {  	_ =	shalt  }
0x82: {  	_ =	shalt  }
0x83: {  	_ =	shalt  }
0x84: {  	_ =	shalt  }
0x85: {  	_ =	shalt  }
0x86: {  	_ =	shalt  }
0x87: {  	_ =	shalt  }
.Lfunc_end0:
.L_simem_size_0:
called_computation.2_lowered:
.L_overlay_start_0:
0x88: {  	s2 =	sld [smem:$0x3FD9]  }
0x89: {  	s3 =	sld [smem:$0x3FFE];
	_ =	sdelay $0x1  }
0x8a: {  	s1 =	srdreg.scid  }
0x8b: {  	s0 =	sand.u32 $0x1, s1  }
0x8c: {  	s16 =	sshll.u32 s0, $0xA;
	s2 =	sadd.s32 s3, s2  }
0x8d: {  	s2 =	sadd.s32 s2, s16  }
0x8e: {  	[smem:$0x3FB7] =	sst s2  }
0x8f: {  	_ = 	snop  }
0x90: {  	(tm) =	ssettm $0x1  }
0x91: {  	s17 =	sld [smem:$0x3FFB];
	_ =	sdelay $0x3  }
0x92: {  	_ =	strace s17  }
0x93: {  	s2 =	sld [smem:$0x3FFC];
	_ =	sdelay $0x3  }
0x94: {  	_ =	strace s2  }
0x95: {  	s2 =	sld [smem:$0x3FFD];
	_ =	sdelay $0x3  }
0x96: {  	_ =	strace s2  }
0x97: {  	_ =	strace $0x8FFFFFFF  }
0x98: {  	s18 =	sld [smem:$0x3FDB];
	_ =	sdelay $0x1  }
0x99: {  	s19 =	simm.s32 $_scs_section_size  }
0x9a: {  	s4 =	simm.s32 $_size__tile_overlayer_lowered;
	s5 =	simm.s32 $_tile_overlayer_lowered  }
0x9b: {  	s22 =	simm.s32 $0x1BFF;
	s21 =	sshll.u32 s5, $0x1;
	s2 =	sadd.s32 s19, s18  }
0x9c: {  	s6 =	simm.s32 $0x0;
	s20 =	sshll.u32 s4, $0x1;
	s4 =	sadd.s32 s21, s2  }
0x9d: {  	[timem:s6], [sflag:s22] =	dma.local [hbm:s4], s20  }
0x9e: {  	_ =	swait.ge [sflag:s22], s20  }
0x9f: {  	s3 =	ssub.s32 $0x0, s20;
	[sflag:s22] =	ssyncset.done $0x0  }
0xa0: {  	[sflag:s22] =	ssyncadd.s32 s3;
	_ =	sdelay $0x1  }
0xa1: {  	s23 =	simm.s32 $0x1B8B  }
0xa2: {  	_ =	swait.ge [sflag:s23], $0x1  }
0xa3: {  	[sflag:s23] =	ssyncset.done $0x0  }
0xa4: {  	s25 =	simm.s32 $0x1B8E;
	s24 =	sld [smem:$0x3FFE];
	[sflag:s23] =	ssyncadd.s32 $0xFFFFFFFF  }
0xa5: {  	s26 =	simm.s32 $execute0_lowered;
	[smem:$0x3FD2] =	sst s25  }
0xa6: {  	s4 =	sshll.u32 s26, $0x1;
	_ =	strace $0x8000004C;
	[dreg:$0x1] =	wrdreg $0xFFFFFFFF  }
0xa7: {  	s28 =	simm.s32 $_size_execute0_lowered;
	s2 =	sadd.s32 s2, s4;
	[dreg:$0x0] =	wrdreg $0x0  }
0xa8: {  	s4 =	sshll.u32 s28, $0x1;
	[dreg:$0x2] =	wrdreg s2  }
0xa9: {  	[dreg:$0x3] =	wrdreg s4  }
0xaa: {  	[dreg:$0x4] =	wrdreg $0xC0  }
0xab: {  	_ =	task [dreg:s6], $0x5FFFF  }
0xac: {  	[dreg:$0x1] =	wrdreg $0xFFFFFFFF  }
0xad: {  	[dreg:$0x0] =	wrdreg $0x60  }
0xae: {  	[dreg:$0x2] =	wrdreg s24  }
0xaf: {  	[dreg:$0x3] =	wrdreg $0x41000  }
0xb0: {  	[dreg:$0x4] =	wrdreg $0x9  }
0xb1: {  	_ =	task.clear_ibuf [dreg:s6], $0x5FFFF;
	_ =	strace $0x9000004C  }
0xb2: {  	s29 =	simm.s32 $0x9;
	_ =	strace $0x8000004E  }
0xb3: {  	_ =	swait.ge [sflag:s29], $0x1  }
0xb4: {  	[sflag:s29] =	ssyncadd.s32 $0xFFFFFFFF  }
0xb5: {  	_ =	strace $0x9000004E  }
0xb6: {  	_ =	sfence  }
0xb7: {  	s30 =	sld [smem:$0x0];
	_ =	sdelay $0x2  }
0xb8: {  	s31 =	sshll.u32 s1, $0xD;
	s1 =	sshrl.u32 s1, $0x2  }
0xb9: {  	s3 =	sand.u32 $0x4000, s31;
	s1 =	sadd.s32 s1, s30  }
0xba: {  	s0 =	sor.u32 s3, s0;
	s1 =	sshll.u32 s1, $0x11  }
0xbb: {  	s0 =	sor.u32 s1, s0  }
0xbc: {  	s0 =	sadd.s32 $0x8F2B, s0  }
0xbd: {  	[sflag:s0] =	ssyncadd.remote.s32 $0x1  }
0xbe: {  	_ =	sfence.sel $0xFFFF  }
0xbf: {  	[dreg:$0x0] =	wrdreg $0xFFFFFFFF;
	(pc) =	sbr.abs _section_cstart, $3  }
0xc0: {  	[dreg:$0x1] =	wrdreg $0xFFFFFFFF  }
0xc1: {  	_ =	task.clear_ibuf [dreg:s6], $0x2FFFF;
	_ =	strace $0x9FFFFFFF  }
0xc2: {  	(tm) =	ssettm $0x7FFFFFFF  }
0xc3: {  	_ =	shalt  }
tec
execute0_lowered:
.L_overlay_start_1:
0x0: {  	(tag) =	ssettag $0x1  }
0x1: {  	s5 =	rddreg [dreg:$0x0];
	s1 =	srdreg.scid  }
0x2: {  	s0 =	stileid.u32;
	s2 =	rddreg [dreg:$0x1]  }
0x3: {  	s3 =	simm.s32 $0x0;
	s17 =	simm.s32 $0x2;
	s4 =	smul.u32 $0x2800, s0  }
0x4: {  	s18 =	simm.s32 $0x80;
	s19 =	simm.s32 $0x1;
	s8 =	smul.u32 $0x500, s0  }
0x5: {  	s7 =	sand.u32 $0x1, s1;
	s1 =	rddreg [dreg:$0x2];
	s9 =	smul.u32 $0x4E000, s0  }
0x6: {  	s22 =	simm.s32 $0x0;
	[smem:$0x7FF] =	sst s3;
	s10 =	smul.u32 $0x2700, s0  }
0x7: {  	s11 =	sadd.s32 $0xAEE00, s5;
	p0 =	sne.s32 s0, $0xF;
	s6 =	smul.u32 $0x28000, s7  }
0x8: {  	s20 =	sshll.u32 s0, $0x6;
	_ =	strace $0x8000004D;
	s31 =	smul.u32 $0x138800, s7  }
0x9: {  	s28 =	ssub.s32 $0x2, s7;
	s12 =	smul.u32 $0x27100, s7;
	s20 =	sor.u32 $0x1C02, s20  }
0xa: {  	s15 =	sadd.s32 s8, s5;
	s29 =	sshrl.u32 s9, $0x2;
	s30 =	sshrl.u32 s28, $0x1  }
0xb: {  	s6 =	sadd.s32 s4, s6;
	s4 =	sadd.s32 $0x12A00, s5;
	s13 =	ssub.s32 s28, s30  }
0xc: {  	s16 =	sshrl.u32 s31, $0x3;
	s12 =	sadd.s32 s10, s12;
	s10 =	sadd.s32 $0x138000, s2  }
0xd: {  	s15 =	sadd.s32 $0xDA00, s15;
	s6 =	sshrl.u32 s6, $0x3;
	s16 =	sadd.s32 s11, s16  }
0xe: {  	s11 =	sadd.s32 s11, s12;
	s13 =	smax.u32 s13, $0x1;
	s14 =	sadd.s32 s6, s5  }
0xf: {  	s5 =	sadd.s32 s29, s2;
	s12 =	sadd.s32 $0x27000, s16;
	s16 =	simm.s32 $0x100  }
0x10: {  	s6 =	sadd.s32 $0x4000, s5;
	s7 =	sadd.s32 $0x8000, s5;
	s8 =	sadd.s32 $0xC000, s5  }
0x11: {  	v0 =	vimm.f32 $0.0e+00;
	s9 =	sadd.s32 $0x10000, s5;
	s14 =	sadd.s32 $0x3A00, s14;
	s21 =	sshrl.u32 s5, $0x3  }
.LBB2_1:
0x12: {  	s23 =	simm.s32 $0x0;
	s24 =	simm.s32 $0x200  }
.LBB2_2:
0x13: {  	p1 =	sne.s32 s24, $0xFE00;
	[tilespmem:s23+$0x170] =	vst v0  }
0x14: {  	[tilespmem:s23+$0x100] =	vst v0  }
0x15: {  	[tilespmem:s23+$0x110] =	vst v0  }
.Ltmp0:
0x16: {  	[tilespmem:s23+$0x120] =	vst v0;
	(pc) =	sbr.rel @p1 .LBB2_2-.Ltmp0, $4  }
0x17: {  	[tilespmem:s23+$0x130] =	vst v0  }
0x18: {  	[tilespmem:s23+$0x140] =	vst v0  }
0x19: {  	[tilespmem:s23+$0x150] =	vst v0  }
0x1a: {  	[tilespmem:s23+$0x160] =	vst v0;
	s23 =	sshra.s32 s24, $0x2;
	s24 =	sadd.s32 $0x200, s24  }
0x1b: {  	[tilespmem:s23+$0x170] =	vst v0  }
0x1c: {  	[tilespmem:s23+$0x100] =	vst v0  }
0x1d: {  	[tilespmem:s23+$0x110] =	vst v0  }
0x1e: {  	[tilespmem:s23+$0x120] =	vst v0  }
0x1f: {  	[tilespmem:s23+$0x130] =	vst v0  }
0x20: {  	[tilespmem:s23+$0x140] =	vst v0  }
0x21: {  	[tilespmem:s23+$0x150] =	vst v0  }
0x22: {  	[tilespmem:s23+$0x160] =	vst v0  }
0x23: {  	[spmem:s5] =	stream.linear.scatter [tilespmem:s16], [sflag:$0x2], $0x4000, $0x38;
	[tilespmem:$0x179C0] =	vst v63  }
0x24: {  	_ =	swait.ge [sflag:s17], $0x4000  }
0x25: {  	[sflag:s17] =	ssyncset.done $0x0  }
0x26: {  	[sflag:s17] =	ssyncadd.s32 $0xFFFFC000  }
0x27: {  	[spmem:s6] =	stream.linear.scatter [tilespmem:s16], [sflag:$0x2], $0x4000, $0x38;
	[tilespmem:$0x179C0] =	vst v63  }
0x28: {  	_ =	swait.ge [sflag:s17], $0x4000  }
0x29: {  	[sflag:s17] =	ssyncset.done $0x0  }
0x2a: {  	[sflag:s17] =	ssyncadd.s32 $0xFFFFC000  }
0x2b: {  	[spmem:s7] =	stream.linear.scatter [tilespmem:s16], [sflag:$0x2], $0x4000, $0x38;
	[tilespmem:$0x179C0] =	vst v63  }
0x2c: {  	_ =	swait.ge [sflag:s17], $0x4000  }
0x2d: {  	[sflag:s17] =	ssyncset.done $0x0  }
0x2e: {  	[sflag:s17] =	ssyncadd.s32 $0xFFFFC000  }
0x2f: {  	[spmem:s8] =	stream.linear.scatter [tilespmem:s16], [sflag:$0x2], $0x4000, $0x38;
	[tilespmem:$0x179C0] =	vst v63  }
0x30: {  	_ =	swait.ge [sflag:s17], $0x4000  }
0x31: {  	[sflag:s17] =	ssyncset.done $0x0  }
0x32: {  	[sflag:s17] =	ssyncadd.s32 $0xFFFFC000  }
0x33: {  	[spmem:s9] =	stream.linear.scatter [tilespmem:s16], [sflag:$0x2], $0x3800, $0x38;
	[tilespmem:$0x179C0] =	vst v63  }
0x34: {  	_ =	swait.ge [sflag:s17], $0x3800  }
0x35: {  	[sflag:s17] =	ssyncset.done $0x0  }
0x36: {  	s23 =	simm.s32 @!p0 $0x100;
	[sflag:s17] =	ssyncadd.s32 $0xFFFFC800  }
0x37: {  	[spmem:s10] =	stream.linear.scatter @!p0 [tilespmem:s23], [sflag:$0x2], $0x800, $0x38;
	[tilespmem:$0x179C0] =	vst v63  }
0x38: {  	s23 =	simm.s32 @!p0 $0x2  }
0x39: {  	_ =	swait.ge @!p0 [sflag:s23], $0x800  }
0x3a: {  	[sflag:s23] =	ssyncset.done @!p0 $0x0  }
0x3b: {  	[sflag:s23] =	ssyncadd.s32 @!p0 $0xFFFFF800  }
0x3c: {  	s30 =	sadd.s32 $0x0, s14;
	[bflag:$0x0] =	sbarrier.arrive $0xFFFF  }
0x3d: {  	[tilespmem:s3], [sflag:$0x2] =	stream.linear.gather [hbm4b:s30+s3], $0x80, $0x38;
	[tilespmem:$0x179C0] =	vst v63  }
0x3e: {  	_ =	swait.ge [sflag:s17], $0x80  }
0x3f: {  	[sflag:s17] =	ssyncset.done $0x0  }
0x40: {  	s31 =	sadd.s32 $0x0, s15;
	[sflag:s17] =	ssyncadd.s32 $0xFFFFFF80  }
0x41: {  	[tilespmem:s18], [sflag:$0x2] =	stream.linear.gather [hbm4b:s31+s3], $0x80, $0x38;
	[tilespmem:$0x179C0] =	vst v63  }
0x42: {  	_ =	swait.ge [sflag:s17], $0x80  }
0x43: {  	[sflag:s17] =	ssyncset.done $0x0  }
0x44: {  	[sflag:s17] =	ssyncadd.s32 $0xFFFFFF80  }
0x45: {  	[tilespmem:s16], [sflag:$0x1] =	stream.indirect.gather [hbm4b:s4+s18], $0x80, s3, s18, $0xb8;
	[tilespmem:$0x179C0] =	vst v63  }
0x46: {  	_ =	swait.ge [sflag:s19], $0x4000  }
0x47: {  	[sflag:s19] =	ssyncset.done $0x0  }
0x48: {  	[sflag:s19] =	ssyncadd.s32 $0xFFFFC000  }
0x49: {  	[spmem:s2] =	stream.indirect.scatter.add.f32 [tilespmem:s16], [sflag:$0x2], $0x80, s18, s18, $0xb8;
	[tilespmem:$0x179C0] =	vst v63  }
0x4a: {  	_ =	swait.ge [sflag:s17], $0x4000  }
0x4b: {  	s24 =	simm.s32 $0x20;
	s23 =	simm.s32 $0x10;
	[sflag:s17] =	ssyncset.done $0x0  }
.LBB2_4:
0x4c: {  	s25 =	sadd.s32 s23, s14  }
0x4d: {  	[sflag:s17] =	ssyncadd.s32 $0xFFFFC000;
	s26 =	smov.u32 s24;
	s28 =	sadd.s32 $0x10, s24  }
0x4e: {  	[tilespmem:s3], [sflag:$0x2] =	stream.linear.gather [hbm4b:s25+s3], $0x80, $0x38;
	[tilespmem:$0x179C0] =	vst v63  }
0x4f: {  	p1 =	sne.s32 s24, $0x4F0;
	_ =	swait.ge [sflag:s17], $0x80  }
0x50: {  	[sflag:s17] =	ssyncset.done $0x0  }
0x51: {  	s24 =	sadd.s32 s23, s15;
	s23 =	smov.u32 s26;
	[sflag:s17] =	ssyncadd.s32 $0xFFFFFF80  }
0x52: {  	[tilespmem:s18], [sflag:$0x2] =	stream.linear.gather [hbm4b:s24+s3], $0x80, $0x38;
	[tilespmem:$0x179C0] =	vst v63  }
0x53: {  	_ =	swait.ge [sflag:s17], $0x80  }
0x54: {  	[sflag:s17] =	ssyncset.done $0x0  }
0x55: {  	[sflag:s17] =	ssyncadd.s32 $0xFFFFFF80  }
0x56: {  	[tilespmem:s16], [sflag:$0x1] =	stream.indirect.gather [hbm4b:s4+s18], $0x80, s3, s18, $0xb8;
	[tilespmem:$0x179C0] =	vst v63  }
0x57: {  	_ =	swait.ge [sflag:s19], $0x4000  }
.Ltmp1:
0x58: {  	[sflag:s19] =	ssyncset.done $0x0;
	(pc) =	sbr.rel @p1 .LBB2_4-.Ltmp1, $4  }
0x59: {  	[sflag:s19] =	ssyncadd.s32 $0xFFFFC000  }
0x5a: {  	[spmem:s2] =	stream.indirect.scatter.add.f32 [tilespmem:s16], [sflag:$0x2], $0x80, s18, s18, $0xb8;
	[tilespmem:$0x179C0] =	vst v63  }
0x5b: {  	_ =	swait.ge [sflag:s17], $0x4000  }
0x5c: {  	s24 =	smov.u32 s28;
	[sflag:s17] =	ssyncset.done $0x0  }
0x5d: {  	s24 =	sadd.s32 s23, s14;
	[sflag:s17] =	ssyncadd.s32 $0xFFFFC000  }
0x5e: {  	[tilespmem:s3], [sflag:$0x2] =	stream.linear.gather [hbm4b:s24+s3], $0x80, $0x38;
	[tilespmem:$0x179C0] =	vst v63  }
0x5f: {  	_ =	swait.ge [sflag:s17], $0x80  }
0x60: {  	[sflag:s17] =	ssyncset.done $0x0  }
0x61: {  	s31 =	sadd.s32 s23, s15;
	[sflag:s17] =	ssyncadd.s32 $0xFFFFFF80  }
0x62: {  	[tilespmem:s18], [sflag:$0x2] =	stream.linear.gather [hbm4b:s31+s3], $0x80, $0x38;
	[tilespmem:$0x179C0] =	vst v63  }
0x63: {  	_ =	swait.ge [sflag:s17], $0x80  }
0x64: {  	[sflag:s17] =	ssyncset.done $0x0  }
0x65: {  	[sflag:s17] =	ssyncadd.s32 $0xFFFFFF80  }
0x66: {  	[tilespmem:s16], [sflag:$0x1] =	stream.indirect.gather [hbm4b:s4+s18], $0x80, s3, s18, $0xb8;
	[tilespmem:$0x179C0] =	vst v63  }
0x67: {  	_ =	swait.ge [sflag:s19], $0x4000  }
0x68: {  	[sflag:s19] =	ssyncset.done $0x0  }
0x69: {  	[sflag:s19] =	ssyncadd.s32 $0xFFFFC000  }
0x6a: {  	[spmem:s2] =	stream.indirect.scatter.add.f32 [tilespmem:s16], [sflag:$0x2], $0x80, s18, s18, $0xb8;
	[tilespmem:$0x179C0] =	vst v63  }
0x6b: {  	_ =	swait.ge [sflag:s17], $0x4000  }
0x6c: {  	[sflag:s17] =	ssyncset.done $0x0  }
0x6d: {  	[sflag:s17] =	ssyncadd.s32 $0xFFFFC000  }
0x6e: {  	[bflag:$0x0] =	sbarrier.arrive $0xFFFF  }
0x6f: {  	[hbm:s11], [sflag:s20] =	dma.local [spmem:s21], $0x2700  }
0x70: {  	_ =	swait.ge [sflag:s17], $0x2700  }
0x71: {  	s22 =	sadd.s32 $0x1, s22;
	[sflag:s17] =	ssyncset.done $0x0  }
0x72: {  	s23 =	sshrl.u32 @!p0 s10, $0x3;
	p1 =	sne.s32 s22, s13;
	[sflag:s17] =	ssyncadd.s32 $0xFFFFD900  }
0x73: {  	[hbm:s12], [sflag:s20] =	dma.local @!p0 [spmem:s23], $0x100  }
.Ltmp2:
0x74: {  	_ = 	snop;
	(pc) =	sbr.rel @p1 .LBB2_1-.Ltmp2, $4  }
0x75: {  	s23 =	simm.s32 @!p0 $0x2  }
0x76: {  	_ =	swait.ge @!p0 [sflag:s23], $0x100  }
0x77: {  	[sflag:s23] =	ssyncset.done @!p0 $0x0  }
0x78: {  	[sflag:s23] =	ssyncadd.s32 @!p0 $0xFFFFFF00  }
0x79: {  	_ =	sfence.sel $0x180000  }
0x7a: {  	[bflag:$0x0] =	sbarrier.arrive $0xFFFF  }
0x7b: {  	p0 =	sne.s32 s0, $0x0;
	_ =	strace $0x9000004D  }
0x7c: {  	s0 =	sadd.s32 @!p0 $0x100000, s1;
	[bflag:$0x2] =	sbarrier.arrive $0xFFFF  }
0x7d: {  	[sflag:s0] =	ssyncadd.tile.s32 @!p0 $0x1;
	_ =	shalt  }
.Lfunc_end2:
_tile_overlayer_lowered:
.L_overlay_start_2:
0x7e: {  	(tag) =	ssettag $0x2  }
0x7f: {  	s0 =	rddreg [dreg:$0x0];
	s2 =	stileid.u32  }
0x80: {  	s1 =	rddreg [dreg:$0x1];
	p0 =	sne.s32 s2, $0x0  }
0x81: {  	s3 =	rddreg [dreg:$0x2];
	[bflag:$0x3] =	sbarrier.arrive $0xFFFF;
	s2 =	simm.s32 @!p0 $0x1C02  }
0x82: {  	[timem:s3], [sflag:s2] =	dma.local @!p0 [hbm:s0], s1  }
0x83: {  	s0 =	simm.s32 @!p0 $0x2  }
0x84: {  	_ =	swait.ge @!p0 [sflag:s0], s1  }
0x85: {  	s1 =	ssub.s32 @!p0 $0x0, s1;
	[sflag:s0] =	ssyncset.done @!p0 $0x0  }
0x86: {  	[sflag:s0] =	ssyncadd.s32 @!p0 s1  }
0x87: {  	[bflag:$0x3] =	sbarrier.arrive $0xFFFF  }
0x88: {  	_ =	shalt  }

</sc_bundles>
